<compile_context>
chip_gen: v7x
topology: tpu7x:2x2x1
jax: 0.10.2.dev20260603
libtpu: 0.0.44.dev20260713+nightly
codegen_flags: <defaults>
</compile_context>

<pallas_src>
import functools

import jax
import jax.numpy as jnp
from jax import lax
from jax.experimental import pallas as pl
from jax.experimental.pallas import tpu as pltpu
from jax.experimental.pallas import tpu_sc as plsc

N = 10000
E = 160000
IN = 16
OUT = 16
EF = 2
HID = IN * OUT

_NW = 32


_GPW = E // _NW


def _run_gather(v, src):
    mesh = plsc.VectorSubcoreMesh(core_axis_name="c", subcore_axis_name="s")

    @functools.partial(
        pl.kernel,
        mesh=mesh,
        out_type=jax.ShapeDtypeStruct((E, IN), jnp.float32),
        scratch_types=[
            pltpu.VMEM((_GPW,), jnp.int32),
            pltpu.VMEM((_GPW, IN), jnp.float32),
            pltpu.SemaphoreType.DMA,
        ],
        compiler_params=pltpu.CompilerParams(use_tc_tiling_on_sc=False),
    )
    def gather_k(v_hbm, src_hbm, out_hbm, idx_v, rows_v, sem):
        wid = lax.axis_index("s") * 2 + lax.axis_index("c")
        base = wid * _GPW
        pltpu.sync_copy(src_hbm.at[pl.ds(base, _GPW)], idx_v)
        pltpu.async_copy(v_hbm.at[idx_v], rows_v, sem).wait()
        pltpu.sync_copy(rows_v, out_hbm.at[pl.ds(base, _GPW)])

    return gather_k(v, src)



_STATS_BW = 6400
_STATS_STEPS = E // _STATS_BW
_MSG_B = 6400
_MSG_STEPS = E // _MSG_B
_TOT_STEPS = _STATS_STEPS + _MSG_STEPS


def _mega_body(attr_t_ref, w_t_ref, b_ref, gamma_ref, beta_ref, v_ref,
               wroot_ref, bconv_ref, xj_ref, attr_tm_ref, r_ref, s_ref,
               msg_ref, root_ref, acc_ref, cd_ref):
    step = pl.program_id(0)

    @pl.when(step == 0)
    def _init():
        acc_ref[...] = jnp.zeros_like(acc_ref)

    @pl.when(step < _STATS_STEPS)
    def _stats():
        r0 = attr_t_ref[0:1, :]
        r1 = attr_t_ref[1:2, :]
        acc_ref[0:1, :] += r0
        acc_ref[1:2, :] += r1
        acc_ref[2:3, :] += r0 * r0
        acc_ref[3:4, :] += r0 * r1
        acc_ref[4:5, :] += r1 * r1

    @pl.when(step == _STATS_STEPS - 1)
    def _fold():
        inv_e = 1.0 / E
        m0 = jnp.sum(acc_ref[0:1, :]) * inv_e
        m1 = jnp.sum(acc_ref[1:2, :]) * inv_e
        c00 = jnp.sum(acc_ref[2:3, :]) * inv_e - m0 * m0
        c01 = jnp.sum(acc_ref[3:4, :]) * inv_e - m0 * m1
        c11 = jnp.sum(acc_ref[4:5, :]) * inv_e - m1 * m1
        w0 = w_t_ref[0:1, :]
        w1 = w_t_ref[1:2, :]
        mu = w0 * m0 + w1 * m1 + b_ref[...]
        var = w0 * w0 * c00 + 2.0 * (w0 * w1) * c01 + w1 * w1 * c11
        inv = gamma_ref[...] * lax.rsqrt(var + 1e-5)
        cd_ref[0:1, :] = w0 * inv
        cd_ref[1:2, :] = w1 * inv
        cd_ref[2:3, :] = (b_ref[...] - mu) * inv + beta_ref[...]
        root_ref[...] = (
            jnp.dot(v_ref[...], wroot_ref[...],
                    preferred_element_type=jnp.float32)
            + bconv_ref[...]
        )

    @pl.when(step >= _STATS_STEPS)
    def _msg():
        cmat = cd_ref[0:2, :]
        d = cd_ref[2:3, :]
        pre = lax.dot_general(
            attr_tm_ref[...], cmat, (((0,), (0,)), ((), ())),
            preferred_element_type=jnp.float32,
        )
        h = jnp.tanh(pre + d)
        xr = jnp.dot(xj_ref[...], r_ref[...],
                     preferred_element_type=jnp.float32)
        msg = jnp.dot(xr * h, s_ref[...], preferred_element_type=jnp.float32)
        ones_col = (
            lax.broadcasted_iota(jnp.int32, (_MSG_B, 32), 1) == IN
        ).astype(jnp.float32)
        msg_ref[...] = msg + ones_col


def _run_mega(attr_t, w_t, b_enet, gamma, beta, v, w_root, b_conv, xj,
              rmat, smat):
    cmap = lambda i: (0, 0)
    smap = lambda i: (0, jnp.minimum(i, _STATS_STEPS - 1))
    mmap = lambda i: (jnp.maximum(i - _STATS_STEPS, 0), 0)
    mmap2 = lambda i: (0, jnp.maximum(i - _STATS_STEPS, 0))
    return pl.pallas_call(
        _mega_body,
        grid=(_TOT_STEPS,),
        in_specs=[
            pl.BlockSpec((2, _STATS_BW), smap),
            pl.BlockSpec((2, HID), cmap),
            pl.BlockSpec((1, HID), cmap),
            pl.BlockSpec((1, HID), cmap),
            pl.BlockSpec((1, HID), cmap),
            pl.BlockSpec((N, IN), cmap),
            pl.BlockSpec((IN, OUT), cmap),
            pl.BlockSpec((1, OUT), cmap),
            pl.BlockSpec((_MSG_B, IN), mmap),
            pl.BlockSpec((2, _MSG_B), mmap2),
            pl.BlockSpec((IN, HID), cmap),
            pl.BlockSpec((HID, 32), cmap),
        ],
        out_specs=[
            pl.BlockSpec((_MSG_B, 32), mmap),
            pl.BlockSpec((N, OUT), cmap),
        ],
        out_shape=[
            jax.ShapeDtypeStruct((E, 32), jnp.float32),
            jax.ShapeDtypeStruct((N, OUT), jnp.float32),
        ],
        scratch_shapes=[
            pltpu.VMEM((8, _STATS_BW), jnp.float32),
            pltpu.VMEM((8, HID), jnp.float32),
        ],
    )(attr_t, w_t, b_enet, gamma, beta, v, w_root, b_conv, xj, attr_t,
      rmat, smat)



_SPW = 1000
_SCHUNKS = _GPW // _SPW
_NPT = N // 16


def _run_scatter(msg, dst, zeros):
    mesh = plsc.VectorSubcoreMesh(core_axis_name="c", subcore_axis_name="s")

    @functools.partial(
        pl.kernel,
        mesh=mesh,
        out_type=jax.ShapeDtypeStruct((2, N, 32), jnp.float32),
        scratch_types=[
            pltpu.VMEM((_SPW,), jnp.int32),
            pltpu.VMEM((_SPW, 32), jnp.float32),
            pltpu.VMEM_SHARED((N, 32), jnp.float32),
        ],
        compiler_params=pltpu.CompilerParams(use_tc_tiling_on_sc=False),
    )
    def scatter_k(msg_hbm, dst_hbm, zeros_hbm, out_hbm, idx_v, val_v, shared):
        cid = lax.axis_index("c")
        sid = lax.axis_index("s")
        pltpu.sync_copy(
            zeros_hbm.at[pl.ds(sid * _NPT, _NPT)],
            shared.at[pl.ds(sid * _NPT, _NPT)],
        )
        plsc.subcore_barrier()
        wid = sid * 2 + cid
        for c in range(_SCHUNKS):
            base = wid * _GPW + c * _SPW
            pltpu.sync_copy(dst_hbm.at[pl.ds(base, _SPW)], idx_v)
            pltpu.sync_copy(msg_hbm.at[pl.ds(base, _SPW)], val_v)
            pltpu.sync_copy(val_v, shared.at[idx_v], add=True)
        plsc.subcore_barrier()
        pltpu.sync_copy(
            shared.at[pl.ds(sid * _NPT, _NPT)],
            out_hbm.at[cid, pl.ds(sid * _NPT, _NPT)],
        )

    return scatter_k(msg, dst, zeros)




def _final_body(p0_ref, p1_ref, root_ref, out_ref):
    s = p0_ref[:, 0:IN] + p1_ref[:, 0:IN]
    cnt = p0_ref[:, IN : IN + 1] + p1_ref[:, IN : IN + 1]
    o = s / jnp.maximum(cnt, 1.0) + root_ref[...]
    out_ref[...] = jnp.where(o >= 0, o, 0.01 * o)


def _run_final(p0, p1, root):
    return pl.pallas_call(
        _final_body,
        grid=(1,),
        in_specs=[
            pl.BlockSpec((N, 32), lambda i: (0, 0)),
            pl.BlockSpec((N, 32), lambda i: (0, 0)),
            pl.BlockSpec((N, OUT), lambda i: (0, 0)),
        ],
        out_specs=pl.BlockSpec((N, OUT), lambda i: (0, 0)),
        out_shape=jax.ShapeDtypeStruct((N, OUT), jnp.float32),
    )(p0, p1, root)




@jax.jit
def _kernel_impl(v, edge_index, edge_attr, W_enet, b_enet, bn_gamma, bn_beta,
                 W_root, b_conv):
    src = edge_index[0]
    dst = edge_index[1]
    xj = _run_gather(v, src)
    jj = jnp.arange(HID, dtype=jnp.int32)
    rmat = (jj[None, :] // IN == jnp.arange(IN, dtype=jnp.int32)[:, None]).astype(
        jnp.float32
    )
    oo = jnp.arange(32, dtype=jnp.int32)
    smat = ((jj[:, None] % IN == oo[None, :]) & (oo[None, :] < IN)).astype(
        jnp.float32
    )
    msg, root = _run_mega(
        edge_attr.T,
        W_enet.T,
        b_enet.reshape(1, HID),
        bn_gamma.reshape(1, HID),
        bn_beta.reshape(1, HID),
        v,
        W_root,
        b_conv.reshape(1, OUT),
        xj,
        rmat,
        smat,
    )
    partials = _run_scatter(msg, dst, jnp.zeros((N, 32), jnp.float32))
    return _run_final(partials[0], partials[1], root)


def kernel(v, edge_index, edge_attr, W_enet, b_enet, bn_gamma, bn_beta,
           W_root, b_conv):
    return _kernel_impl(v, edge_index, edge_attr, W_enet, b_enet, bn_gamma,
                        bn_beta, W_root, b_conv)

# --- scband reference (transcript-rebuilt; emitter-appended) ---
"""Pipeline reference for scband-gnnblock-26860725469290 (READ-ONLY COPY).

The authoritative reference and input builder live on the scoring server;
editing this copy changes nothing except your own understanding.
"""

import jax, jax.numpy as jnp
import numpy as np

N = 10000
E = 160000
IN = 16
OUT = 16
EF = 2


def setup_inputs(seed: int = 0) -> dict:
    key = jax.random.key(seed)
    ks = jax.random.split(key, 8)
    v = jax.random.normal(ks[0], (N, IN), dtype=jnp.float32)
    edge_index = jax.random.randint(ks[1], (2, E), 0, N, dtype=jnp.int32)
    edge_attr = jax.random.normal(ks[2], (E, EF), dtype=jnp.float32)
    # edge network: Linear(EF -> IN*OUT), BatchNorm1d(IN*OUT), Tanh
    W_enet = jax.random.normal(ks[3], (IN * OUT, EF), dtype=jnp.float32) * (1.0 / np.sqrt(EF))
    b_enet = jnp.zeros((IN * OUT,), dtype=jnp.float32)
    bn_gamma = jnp.ones((IN * OUT,), dtype=jnp.float32)
    bn_beta = jnp.zeros((IN * OUT,), dtype=jnp.float32)
    # NNConv root weight [IN, OUT] and bias [OUT]
    W_root = jax.random.normal(ks[4], (IN, OUT), dtype=jnp.float32) * (1.0 / np.sqrt(IN))
    b_conv = jnp.zeros((OUT,), dtype=jnp.float32)
    return {
        "v": v,
        "edge_index": edge_index,
        "edge_attr": edge_attr,
        "W_enet": W_enet,
        "b_enet": b_enet,
        "bn_gamma": bn_gamma,
        "bn_beta": bn_beta,
        "W_root": W_root,
        "b_conv": b_conv,
    }


def reference(v, edge_index, edge_attr, W_enet, b_enet, bn_gamma, bn_beta, W_root, b_conv):
    # GNNBlock with feat_dims=[16,16]: one GNNLayer, dynamic_efeats='skip',
    # euclidian=direction=False, n_weights=0 -> e = edge_attr[:, :static_efeats]
    e = edge_attr[:, :EF]
    # edge net: Linear -> BatchNorm1d (training-mode batch stats) -> Tanh
    h = e @ W_enet.T + b_enet  # [E, IN*OUT]
    mu = jnp.mean(h, axis=0)
    var = jnp.var(h, axis=0)  # biased variance, matching torch BatchNorm normalization
    h = (h - mu) / jnp.sqrt(var + 1e-5) * bn_gamma + bn_beta
    h = jnp.tanh(h)
    Wmat = h.reshape(E, IN, OUT)  # per-edge weight matrices
    src = edge_index[0]
    dst = edge_index[1]
    x_j = jnp.take(v, src, axis=0)  # [E, IN]
    msg = jnp.einsum('ei,eio->eo', x_j, Wmat)  # [E, OUT]
    # aggr='mean' over incoming edges at dst
    summed = jax.ops.segment_sum(msg, dst, num_segments=N)
    cnt = jax.ops.segment_sum(jnp.ones((E,), dtype=jnp.float32), dst, num_segments=N)
    agg = summed / jnp.maximum(cnt, 1.0)[:, None]
    # root weight + bias
    out = agg + v @ W_root + b_conv
    # GNNLayer: dense=Identity, bn=Identity (block bn=False), act=LeakyReLU(0.01), dp=Identity, skip=False
    out = jnp.where(out >= 0, out, 0.01 * out)
    # residual=False -> return v (the layer output)
    return out

if __name__ == "__main__":
    import jax
    _d = setup_inputs()
    print(jax.jit(kernel)(*tuple(_d.values())))

</pallas_src>

<mosaic_0001>
#map = affine_map<(d0, d1) -> (0, 0)>
#map1 = affine_map<(d0, d1) -> (0)>
#map2 = affine_map<(d0, d1) -> (0, 0, 0)>
module attributes {stable_mosaic.version = 14 : i64} {
  func.func @scatter_k(%arg0: i32, %arg1: i32, %arg2: memref<160000x32xf32, #tpu.memory_space<hbm>>, %arg3: memref<160000xi32, #tpu.memory_space<hbm>>, %arg4: memref<10000x32xf32, #tpu.memory_space<hbm>>, %arg5: memref<2x10000x32xf32, #tpu.memory_space<hbm>>, %arg6: memref<1000xi32, #tpu.memory_space<vmem>>, %arg7: memref<1000x32xf32, #tpu.memory_space<vmem>>, %arg8: memref<10000x32xf32, #tpu.memory_space<vmem_shared>>) attributes {dimension_semantics = [#tpu.dimension_semantics<core_parallel>, #tpu.dimension_semantics<subcore_parallel>], iteration_bounds = array<i64: 2, 16>, scalar_prefetch = 0 : i64, scratch_operands = 3 : i64, tpu.core_type = #tpu.core_type<sc_vector_subcore>, window_params = [{transform_indices = #map}, {transform_indices = #map1}, {transform_indices = #map}, {transform_indices = #map2}]} {
    %mul3A = arith.constant 625 : i32
    %mul3A_0 = arith.muli %arg1, %mul3A : i32
    %mul3A_1 = arith.constant 625 : i32
    %mul3A_2 = arith.muli %arg1, %mul3A_1 : i32
    "tpu.region"() ({
      %run_scoped3A = tpu.sem_alloc : memref<!tpu.dma_semaphore, #tpu.memory_space<semaphore_mem>>
      %dma_start3A = arith.constant 0 : i32
      %dma_start3A_30 = tpu.memref_slice %arg8[%mul3A_2, %dma_start3A] : memref<10000x32xf32, #tpu.memory_space<vmem_shared>> -> memref<625x32xf32, #tpu.memory_space<vmem_shared>>
      %dma_start3A_31 = arith.constant 0 : i32
      %dma_start3A_32 = tpu.memref_slice %arg4[%mul3A_0, %dma_start3A_31] : memref<10000x32xf32, #tpu.memory_space<hbm>> -> memref<625x32xf32, #tpu.memory_space<hbm>>
      tpu.enqueue_dma source(%dma_start3A_32 : memref<625x32xf32, #tpu.memory_space<hbm>>) target(%dma_start3A_30 : memref<625x32xf32, #tpu.memory_space<vmem_shared>>) target_semaphore(%run_scoped3A : memref<!tpu.dma_semaphore, #tpu.memory_space<semaphore_mem>>)
      %dma_wait3A = arith.constant 0 : i32
      %dma_wait3A_33 = tpu.memref_slice %arg8[%mul3A_2, %dma_wait3A] : memref<10000x32xf32, #tpu.memory_space<vmem_shared>> -> memref<625x32xf32, #tpu.memory_space<vmem_shared>>
      %dma_wait3A_34 = arith.constant 0 : i32
      %dma_wait3A_35 = tpu.memref_slice %arg4[%mul3A_0, %dma_wait3A_34] : memref<10000x32xf32, #tpu.memory_space<hbm>> -> memref<625x32xf32, #tpu.memory_space<hbm>>
      tpu.wait_dma2 semaphore(%run_scoped3A : memref<!tpu.dma_semaphore, #tpu.memory_space<semaphore_mem>>) src(%dma_wait3A_35 : memref<625x32xf32, #tpu.memory_space<hbm>>) dst(%dma_wait3A_33 : memref<625x32xf32, #tpu.memory_space<vmem_shared>>)
      tpu.yield
    }) : () -> ()
    %barrier3A = arith.constant 0 : index
    tpu.barrier barrier_id(%barrier3A)
    %mul3A_3 = arith.constant 2 : i32
    %mul3A_4 = arith.muli %arg1, %mul3A_3 : i32
    %add3A = arith.addi %mul3A_4, %arg0 : i32
    %mul3A_5 = arith.constant 5000 : i32
    %mul3A_6 = arith.muli %add3A, %mul3A_5 : i32
    %add3A_7 = arith.constant 0 : i32
    %add3A_8 = arith.addi %mul3A_6, %add3A_7 : i32
    "tpu.region"() ({
      %run_scoped3A = tpu.sem_alloc : memref<!tpu.dma_semaphore, #tpu.memory_space<semaphore_mem>>
      %dma_start3A = tpu.memref_slice %arg3[%add3A_8] : memref<160000xi32, #tpu.memory_space<hbm>> -> memref<1000xi32, #tpu.memory_space<hbm>>
      %dma_start3A_30 = tpu.memref_slice %arg3[%add3A_8] : memref<160000xi32, #tpu.memory_space<hbm>> -> memref<1000xi32, #tpu.memory_space<hbm>>
      tpu.enqueue_dma source(%dma_start3A_30 : memref<1000xi32, #tpu.memory_space<hbm>>) target(%arg6 : memref<1000xi32, #tpu.memory_space<vmem>>) target_semaphore(%run_scoped3A : memref<!tpu.dma_semaphore, #tpu.memory_space<semaphore_mem>>)
      %dma_wait3A = tpu.memref_slice %arg3[%add3A_8] : memref<160000xi32, #tpu.memory_space<hbm>> -> memref<1000xi32, #tpu.memory_space<hbm>>
      %dma_wait3A_31 = tpu.memref_slice %arg3[%add3A_8] : memref<160000xi32, #tpu.memory_space<hbm>> -> memref<1000xi32, #tpu.memory_space<hbm>>
      tpu.wait_dma2 semaphore(%run_scoped3A : memref<!tpu.dma_semaphore, #tpu.memory_space<semaphore_mem>>) src(%dma_wait3A_31 : memref<1000xi32, #tpu.memory_space<hbm>>) dst(%arg6 : memref<1000xi32, #tpu.memory_space<vmem>>)
      tpu.yield
    }) : () -> ()
    "tpu.region"() ({
      %run_scoped3A = tpu.sem_alloc : memref<!tpu.dma_semaphore, #tpu.memory_space<semaphore_mem>>
      %dma_start3A = arith.constant 0 : i32
      %dma_start3A_30 = tpu.memref_slice %arg2[%add3A_8, %dma_start3A] : memref<160000x32xf32, #tpu.memory_space<hbm>> -> memref<1000x32xf32, #tpu.memory_space<hbm>>
      %dma_start3A_31 = arith.constant 0 : i32
      %dma_start3A_32 = tpu.memref_slice %arg2[%add3A_8, %dma_start3A_31] : memref<160000x32xf32, #tpu.memory_space<hbm>> -> memref<1000x32xf32, #tpu.memory_space<hbm>>
      tpu.enqueue_dma source(%dma_start3A_32 : memref<1000x32xf32, #tpu.memory_space<hbm>>) target(%arg7 : memref<1000x32xf32, #tpu.memory_space<vmem>>) target_semaphore(%run_scoped3A : memref<!tpu.dma_semaphore, #tpu.memory_space<semaphore_mem>>)
      %dma_wait3A = arith.constant 0 : i32
      %dma_wait3A_33 = tpu.memref_slice %arg2[%add3A_8, %dma_wait3A] : memref<160000x32xf32, #tpu.memory_space<hbm>> -> memref<1000x32xf32, #tpu.memory_space<hbm>>
      %dma_wait3A_34 = arith.constant 0 : i32
      %dma_wait3A_35 = tpu.memref_slice %arg2[%add3A_8, %dma_wait3A_34] : memref<160000x32xf32, #tpu.memory_space<hbm>> -> memref<1000x32xf32, #tpu.memory_space<hbm>>
      tpu.wait_dma2 semaphore(%run_scoped3A : memref<!tpu.dma_semaphore, #tpu.memory_space<semaphore_mem>>) src(%dma_wait3A_35 : memref<1000x32xf32, #tpu.memory_space<hbm>>) dst(%arg7 : memref<1000x32xf32, #tpu.memory_space<vmem>>)
      tpu.yield
    }) : () -> ()
    "tpu.region"() ({
      %run_scoped3A = tpu.sem_alloc : memref<!tpu.dma_semaphore, #tpu.memory_space<semaphore_mem>>
      %dma_start3A = arith.constant 0 : i32
      %dma_start3A_30 = arith.constant 0 : i32
      %dma_start3A_31 = tpu.memref_slice %arg8[%dma_start3A, %dma_start3A_30] : memref<10000x32xf32, #tpu.memory_space<vmem_shared>> -> memref<10000x32xf32, #tpu.memory_space<vmem_shared>>
      tpu.enqueue_indirect_dma source(%arg7 : memref<1000x32xf32, #tpu.memory_space<vmem>>) target(%dma_start3A_31 : memref<10000x32xf32, #tpu.memory_space<vmem_shared>>) offsets(%arg6 : memref<1000xi32, #tpu.memory_space<vmem>>) semaphore(%run_scoped3A : memref<!tpu.dma_semaphore, #tpu.memory_space<semaphore_mem>>) {add = true}
      %dma_wait3A = arith.constant 0 : i32
      %dma_wait3A_32 = arith.constant 0 : i32
      %dma_wait3A_33 = tpu.memref_slice %arg8[%dma_wait3A, %dma_wait3A_32] : memref<10000x32xf32, #tpu.memory_space<vmem_shared>> -> memref<10000x32xf32, #tpu.memory_space<vmem_shared>>
      tpu.wait_indirect_dma semaphore(%run_scoped3A : memref<!tpu.dma_semaphore, #tpu.memory_space<semaphore_mem>>) src(%arg7 : memref<1000x32xf32, #tpu.memory_space<vmem>>) dst(%dma_wait3A_33 : memref<10000x32xf32, #tpu.memory_space<vmem_shared>>)
      tpu.yield
    }) : () -> ()
    %mul3A_9 = arith.constant 5000 : i32
    %mul3A_10 = arith.muli %add3A, %mul3A_9 : i32
    %add3A_11 = arith.constant 1000 : i32
    %add3A_12 = arith.addi %mul3A_10, %add3A_11 : i32
    "tpu.region"() ({
      %run_scoped3A = tpu.sem_alloc : memref<!tpu.dma_semaphore, #tpu.memory_space<semaphore_mem>>
      %dma_start3A = tpu.memref_slice %arg3[%add3A_12] : memref<160000xi32, #tpu.memory_space<hbm>> -> memref<1000xi32, #tpu.memory_space<hbm>>
      %dma_start3A_30 = tpu.memref_slice %arg3[%add3A_12] : memref<160000xi32, #tpu.memory_space<hbm>> -> memref<1000xi32, #tpu.memory_space<hbm>>
      tpu.enqueue_dma source(%dma_start3A_30 : memref<1000xi32, #tpu.memory_space<hbm>>) target(%arg6 : memref<1000xi32, #tpu.memory_space<vmem>>) target_semaphore(%run_scoped3A : memref<!tpu.dma_semaphore, #tpu.memory_space<semaphore_mem>>)
      %dma_wait3A = tpu.memref_slice %arg3[%add3A_12] : memref<160000xi32, #tpu.memory_space<hbm>> -> memref<1000xi32, #tpu.memory_space<hbm>>
      %dma_wait3A_31 = tpu.memref_slice %arg3[%add3A_12] : memref<160000xi32, #tpu.memory_space<hbm>> -> memref<1000xi32, #tpu.memory_space<hbm>>
      tpu.wait_dma2 semaphore(%run_scoped3A : memref<!tpu.dma_semaphore, #tpu.memory_space<semaphore_mem>>) src(%dma_wait3A_31 : memref<1000xi32, #tpu.memory_space<hbm>>) dst(%arg6 : memref<1000xi32, #tpu.memory_space<vmem>>)
      tpu.yield
    }) : () -> ()
    "tpu.region"() ({
      %run_scoped3A = tpu.sem_alloc : memref<!tpu.dma_semaphore, #tpu.memory_space<semaphore_mem>>
      %dma_start3A = arith.constant 0 : i32
      %dma_start3A_30 = tpu.memref_slice %arg2[%add3A_12, %dma_start3A] : memref<160000x32xf32, #tpu.memory_space<hbm>> -> memref<1000x32xf32, #tpu.memory_space<hbm>>
      %dma_start3A_31 = arith.constant 0 : i32
      %dma_start3A_32 = tpu.memref_slice %arg2[%add3A_12, %dma_start3A_31] : memref<160000x32xf32, #tpu.memory_space<hbm>> -> memref<1000x32xf32, #tpu.memory_space<hbm>>
      tpu.enqueue_dma source(%dma_start3A_32 : memref<1000x32xf32, #tpu.memory_space<hbm>>) target(%arg7 : memref<1000x32xf32, #tpu.memory_space<vmem>>) target_semaphore(%run_scoped3A : memref<!tpu.dma_semaphore, #tpu.memory_space<semaphore_mem>>)
      %dma_wait3A = arith.constant 0 : i32
      %dma_wait3A_33 = tpu.memref_slice %arg2[%add3A_12, %dma_wait3A] : memref<160000x32xf32, #tpu.memory_space<hbm>> -> memref<1000x32xf32, #tpu.memory_space<hbm>>
      %dma_wait3A_34 = arith.constant 0 : i32
      %dma_wait3A_35 = tpu.memref_slice %arg2[%add3A_12, %dma_wait3A_34] : memref<160000x32xf32, #tpu.memory_space<hbm>> -> memref<1000x32xf32, #tpu.memory_space<hbm>>
      tpu.wait_dma2 semaphore(%run_scoped3A : memref<!tpu.dma_semaphore, #tpu.memory_space<semaphore_mem>>) src(%dma_wait3A_35 : memref<1000x32xf32, #tpu.memory_space<hbm>>) dst(%arg7 : memref<1000x32xf32, #tpu.memory_space<vmem>>)
      tpu.yield
    }) : () -> ()
    "tpu.region"() ({
      %run_scoped3A = tpu.sem_alloc : memref<!tpu.dma_semaphore, #tpu.memory_space<semaphore_mem>>
      %dma_start3A = arith.constant 0 : i32
      %dma_start3A_30 = arith.constant 0 : i32
      %dma_start3A_31 = tpu.memref_slice %arg8[%dma_start3A, %dma_start3A_30] : memref<10000x32xf32, #tpu.memory_space<vmem_shared>> -> memref<10000x32xf32, #tpu.memory_space<vmem_shared>>
      tpu.enqueue_indirect_dma source(%arg7 : memref<1000x32xf32, #tpu.memory_space<vmem>>) target(%dma_start3A_31 : memref<10000x32xf32, #tpu.memory_space<vmem_shared>>) offsets(%arg6 : memref<1000xi32, #tpu.memory_space<vmem>>) semaphore(%run_scoped3A : memref<!tpu.dma_semaphore, #tpu.memory_space<semaphore_mem>>) {add = true}
      %dma_wait3A = arith.constant 0 : i32
      %dma_wait3A_32 = arith.constant 0 : i32
      %dma_wait3A_33 = tpu.memref_slice %arg8[%dma_wait3A, %dma_wait3A_32] : memref<10000x32xf32, #tpu.memory_space<vmem_shared>> -> memref<10000x32xf32, #tpu.memory_space<vmem_shared>>
      tpu.wait_indirect_dma semaphore(%run_scoped3A : memref<!tpu.dma_semaphore, #tpu.memory_space<semaphore_mem>>) src(%arg7 : memref<1000x32xf32, #tpu.memory_space<vmem>>) dst(%dma_wait3A_33 : memref<10000x32xf32, #tpu.memory_space<vmem_shared>>)
      tpu.yield
    }) : () -> ()
    %mul3A_13 = arith.constant 5000 : i32
    %mul3A_14 = arith.muli %add3A, %mul3A_13 : i32
    %add3A_15 = arith.constant 2000 : i32
    %add3A_16 = arith.addi %mul3A_14, %add3A_15 : i32
    "tpu.region"() ({
      %run_scoped3A = tpu.sem_alloc : memref<!tpu.dma_semaphore, #tpu.memory_space<semaphore_mem>>
      %dma_start3A = tpu.memref_slice %arg3[%add3A_16] : memref<160000xi32, #tpu.memory_space<hbm>> -> memref<1000xi32, #tpu.memory_space<hbm>>
      %dma_start3A_30 = tpu.memref_slice %arg3[%add3A_16] : memref<160000xi32, #tpu.memory_space<hbm>> -> memref<1000xi32, #tpu.memory_space<hbm>>
      tpu.enqueue_dma source(%dma_start3A_30 : memref<1000xi32, #tpu.memory_space<hbm>>) target(%arg6 : memref<1000xi32, #tpu.memory_space<vmem>>) target_semaphore(%run_scoped3A : memref<!tpu.dma_semaphore, #tpu.memory_space<semaphore_mem>>)
      %dma_wait3A = tpu.memref_slice %arg3[%add3A_16] : memref<160000xi32, #tpu.memory_space<hbm>> -> memref<1000xi32, #tpu.memory_space<hbm>>
      %dma_wait3A_31 = tpu.memref_slice %arg3[%add3A_16] : memref<160000xi32, #tpu.memory_space<hbm>> -> memref<1000xi32, #tpu.memory_space<hbm>>
      tpu.wait_dma2 semaphore(%run_scoped3A : memref<!tpu.dma_semaphore, #tpu.memory_space<semaphore_mem>>) src(%dma_wait3A_31 : memref<1000xi32, #tpu.memory_space<hbm>>) dst(%arg6 : memref<1000xi32, #tpu.memory_space<vmem>>)
      tpu.yield
    }) : () -> ()
    "tpu.region"() ({
      %run_scoped3A = tpu.sem_alloc : memref<!tpu.dma_semaphore, #tpu.memory_space<semaphore_mem>>
      %dma_start3A = arith.constant 0 : i32
      %dma_start3A_30 = tpu.memref_slice %arg2[%add3A_16, %dma_start3A] : memref<160000x32xf32, #tpu.memory_space<hbm>> -> memref<1000x32xf32, #tpu.memory_space<hbm>>
      %dma_start3A_31 = arith.constant 0 : i32
      %dma_start3A_32 = tpu.memref_slice %arg2[%add3A_16, %dma_start3A_31] : memref<160000x32xf32, #tpu.memory_space<hbm>> -> memref<1000x32xf32, #tpu.memory_space<hbm>>
      tpu.enqueue_dma source(%dma_start3A_32 : memref<1000x32xf32, #tpu.memory_space<hbm>>) target(%arg7 : memref<1000x32xf32, #tpu.memory_space<vmem>>) target_semaphore(%run_scoped3A : memref<!tpu.dma_semaphore, #tpu.memory_space<semaphore_mem>>)
      %dma_wait3A = arith.constant 0 : i32
      %dma_wait3A_33 = tpu.memref_slice %arg2[%add3A_16, %dma_wait3A] : memref<160000x32xf32, #tpu.memory_space<hbm>> -> memref<1000x32xf32, #tpu.memory_space<hbm>>
      %dma_wait3A_34 = arith.constant 0 : i32
      %dma_wait3A_35 = tpu.memref_slice %arg2[%add3A_16, %dma_wait3A_34] : memref<160000x32xf32, #tpu.memory_space<hbm>> -> memref<1000x32xf32, #tpu.memory_space<hbm>>
      tpu.wait_dma2 semaphore(%run_scoped3A : memref<!tpu.dma_semaphore, #tpu.memory_space<semaphore_mem>>) src(%dma_wait3A_35 : memref<1000x32xf32, #tpu.memory_space<hbm>>) dst(%arg7 : memref<1000x32xf32, #tpu.memory_space<vmem>>)
      tpu.yield
    }) : () -> ()
    "tpu.region"() ({
      %run_scoped3A = tpu.sem_alloc : memref<!tpu.dma_semaphore, #tpu.memory_space<semaphore_mem>>
      %dma_start3A = arith.constant 0 : i32
      %dma_start3A_30 = arith.constant 0 : i32
      %dma_start3A_31 = tpu.memref_slice %arg8[%dma_start3A, %dma_start3A_30] : memref<10000x32xf32, #tpu.memory_space<vmem_shared>> -> memref<10000x32xf32, #tpu.memory_space<vmem_shared>>
      tpu.enqueue_indirect_dma source(%arg7 : memref<1000x32xf32, #tpu.memory_space<vmem>>) target(%dma_start3A_31 : memref<10000x32xf32, #tpu.memory_space<vmem_shared>>) offsets(%arg6 : memref<1000xi32, #tpu.memory_space<vmem>>) semaphore(%run_scoped3A : memref<!tpu.dma_semaphore, #tpu.memory_space<semaphore_mem>>) {add = true}
      %dma_wait3A = arith.constant 0 : i32
      %dma_wait3A_32 = arith.constant 0 : i32
      %dma_wait3A_33 = tpu.memref_slice %arg8[%dma_wait3A, %dma_wait3A_32] : memref<10000x32xf32, #tpu.memory_space<vmem_shared>> -> memref<10000x32xf32, #tpu.memory_space<vmem_shared>>
      tpu.wait_indirect_dma semaphore(%run_scoped3A : memref<!tpu.dma_semaphore, #tpu.memory_space<semaphore_mem>>) src(%arg7 : memref<1000x32xf32, #tpu.memory_space<vmem>>) dst(%dma_wait3A_33 : memref<10000x32xf32, #tpu.memory_space<vmem_shared>>)
      tpu.yield
    }) : () -> ()
    %mul3A_17 = arith.constant 5000 : i32
    %mul3A_18 = arith.muli %add3A, %mul3A_17 : i32
    %add3A_19 = arith.constant 3000 : i32
    %add3A_20 = arith.addi %mul3A_18, %add3A_19 : i32
    "tpu.region"() ({
      %run_scoped3A = tpu.sem_alloc : memref<!tpu.dma_semaphore, #tpu.memory_space<semaphore_mem>>
      %dma_start3A = tpu.memref_slice %arg3[%add3A_20] : memref<160000xi32, #tpu.memory_space<hbm>> -> memref<1000xi32, #tpu.memory_space<hbm>>
      %dma_start3A_30 = tpu.memref_slice %arg3[%add3A_20] : memref<160000xi32, #tpu.memory_space<hbm>> -> memref<1000xi32, #tpu.memory_space<hbm>>
      tpu.enqueue_dma source(%dma_start3A_30 : memref<1000xi32, #tpu.memory_space<hbm>>) target(%arg6 : memref<1000xi32, #tpu.memory_space<vmem>>) target_semaphore(%run_scoped3A : memref<!tpu.dma_semaphore, #tpu.memory_space<semaphore_mem>>)
      %dma_wait3A = tpu.memref_slice %arg3[%add3A_20] : memref<160000xi32, #tpu.memory_space<hbm>> -> memref<1000xi32, #tpu.memory_space<hbm>>
      %dma_wait3A_31 = tpu.memref_slice %arg3[%add3A_20] : memref<160000xi32, #tpu.memory_space<hbm>> -> memref<1000xi32, #tpu.memory_space<hbm>>
      tpu.wait_dma2 semaphore(%run_scoped3A : memref<!tpu.dma_semaphore, #tpu.memory_space<semaphore_mem>>) src(%dma_wait3A_31 : memref<1000xi32, #tpu.memory_space<hbm>>) dst(%arg6 : memref<1000xi32, #tpu.memory_space<vmem>>)
      tpu.yield
    }) : () -> ()
    "tpu.region"() ({
      %run_scoped3A = tpu.sem_alloc : memref<!tpu.dma_semaphore, #tpu.memory_space<semaphore_mem>>
      %dma_start3A = arith.constant 0 : i32
      %dma_start3A_30 = tpu.memref_slice %arg2[%add3A_20, %dma_start3A] : memref<160000x32xf32, #tpu.memory_space<hbm>> -> memref<1000x32xf32, #tpu.memory_space<hbm>>
      %dma_start3A_31 = arith.constant 0 : i32
      %dma_start3A_32 = tpu.memref_slice %arg2[%add3A_20, %dma_start3A_31] : memref<160000x32xf32, #tpu.memory_space<hbm>> -> memref<1000x32xf32, #tpu.memory_space<hbm>>
      tpu.enqueue_dma source(%dma_start3A_32 : memref<1000x32xf32, #tpu.memory_space<hbm>>) target(%arg7 : memref<1000x32xf32, #tpu.memory_space<vmem>>) target_semaphore(%run_scoped3A : memref<!tpu.dma_semaphore, #tpu.memory_space<semaphore_mem>>)
      %dma_wait3A = arith.constant 0 : i32
      %dma_wait3A_33 = tpu.memref_slice %arg2[%add3A_20, %dma_wait3A] : memref<160000x32xf32, #tpu.memory_space<hbm>> -> memref<1000x32xf32, #tpu.memory_space<hbm>>
      %dma_wait3A_34 = arith.constant 0 : i32
      %dma_wait3A_35 = tpu.memref_slice %arg2[%add3A_20, %dma_wait3A_34] : memref<160000x32xf32, #tpu.memory_space<hbm>> -> memref<1000x32xf32, #tpu.memory_space<hbm>>
      tpu.wait_dma2 semaphore(%run_scoped3A : memref<!tpu.dma_semaphore, #tpu.memory_space<semaphore_mem>>) src(%dma_wait3A_35 : memref<1000x32xf32, #tpu.memory_space<hbm>>) dst(%arg7 : memref<1000x32xf32, #tpu.memory_space<vmem>>)
      tpu.yield
    }) : () -> ()
    "tpu.region"() ({
      %run_scoped3A = tpu.sem_alloc : memref<!tpu.dma_semaphore, #tpu.memory_space<semaphore_mem>>
      %dma_start3A = arith.constant 0 : i32
      %dma_start3A_30 = arith.constant 0 : i32
      %dma_start3A_31 = tpu.memref_slice %arg8[%dma_start3A, %dma_start3A_30] : memref<10000x32xf32, #tpu.memory_space<vmem_shared>> -> memref<10000x32xf32, #tpu.memory_space<vmem_shared>>
      tpu.enqueue_indirect_dma source(%arg7 : memref<1000x32xf32, #tpu.memory_space<vmem>>) target(%dma_start3A_31 : memref<10000x32xf32, #tpu.memory_space<vmem_shared>>) offsets(%arg6 : memref<1000xi32, #tpu.memory_space<vmem>>) semaphore(%run_scoped3A : memref<!tpu.dma_semaphore, #tpu.memory_space<semaphore_mem>>) {add = true}
      %dma_wait3A = arith.constant 0 : i32
      %dma_wait3A_32 = arith.constant 0 : i32
      %dma_wait3A_33 = tpu.memref_slice %arg8[%dma_wait3A, %dma_wait3A_32] : memref<10000x32xf32, #tpu.memory_space<vmem_shared>> -> memref<10000x32xf32, #tpu.memory_space<vmem_shared>>
      tpu.wait_indirect_dma semaphore(%run_scoped3A : memref<!tpu.dma_semaphore, #tpu.memory_space<semaphore_mem>>) src(%arg7 : memref<1000x32xf32, #tpu.memory_space<vmem>>) dst(%dma_wait3A_33 : memref<10000x32xf32, #tpu.memory_space<vmem_shared>>)
      tpu.yield
    }) : () -> ()
    %mul3A_21 = arith.constant 5000 : i32
    %mul3A_22 = arith.muli %add3A, %mul3A_21 : i32
    %add3A_23 = arith.constant 4000 : i32
    %add3A_24 = arith.addi %mul3A_22, %add3A_23 : i32
    "tpu.region"() ({
      %run_scoped3A = tpu.sem_alloc : memref<!tpu.dma_semaphore, #tpu.memory_space<semaphore_mem>>
      %dma_start3A = tpu.memref_slice %arg3[%add3A_24] : memref<160000xi32, #tpu.memory_space<hbm>> -> memref<1000xi32, #tpu.memory_space<hbm>>
      %dma_start3A_30 = tpu.memref_slice %arg3[%add3A_24] : memref<160000xi32, #tpu.memory_space<hbm>> -> memref<1000xi32, #tpu.memory_space<hbm>>
      tpu.enqueue_dma source(%dma_start3A_30 : memref<1000xi32, #tpu.memory_space<hbm>>) target(%arg6 : memref<1000xi32, #tpu.memory_space<vmem>>) target_semaphore(%run_scoped3A : memref<!tpu.dma_semaphore, #tpu.memory_space<semaphore_mem>>)
      %dma_wait3A = tpu.memref_slice %arg3[%add3A_24] : memref<160000xi32, #tpu.memory_space<hbm>> -> memref<1000xi32, #tpu.memory_space<hbm>>
      %dma_wait3A_31 = tpu.memref_slice %arg3[%add3A_24] : memref<160000xi32, #tpu.memory_space<hbm>> -> memref<1000xi32, #tpu.memory_space<hbm>>
      tpu.wait_dma2 semaphore(%run_scoped3A : memref<!tpu.dma_semaphore, #tpu.memory_space<semaphore_mem>>) src(%dma_wait3A_31 : memref<1000xi32, #tpu.memory_space<hbm>>) dst(%arg6 : memref<1000xi32, #tpu.memory_space<vmem>>)
      tpu.yield
    }) : () -> ()
    "tpu.region"() ({
      %run_scoped3A = tpu.sem_alloc : memref<!tpu.dma_semaphore, #tpu.memory_space<semaphore_mem>>
      %dma_start3A = arith.constant 0 : i32
      %dma_start3A_30 = tpu.memref_slice %arg2[%add3A_24, %dma_start3A] : memref<160000x32xf32, #tpu.memory_space<hbm>> -> memref<1000x32xf32, #tpu.memory_space<hbm>>
      %dma_start3A_31 = arith.constant 0 : i32
      %dma_start3A_32 = tpu.memref_slice %arg2[%add3A_24, %dma_start3A_31] : memref<160000x32xf32, #tpu.memory_space<hbm>> -> memref<1000x32xf32, #tpu.memory_space<hbm>>
      tpu.enqueue_dma source(%dma_start3A_32 : memref<1000x32xf32, #tpu.memory_space<hbm>>) target(%arg7 : memref<1000x32xf32, #tpu.memory_space<vmem>>) target_semaphore(%run_scoped3A : memref<!tpu.dma_semaphore, #tpu.memory_space<semaphore_mem>>)
      %dma_wait3A = arith.constant 0 : i32
      %dma_wait3A_33 = tpu.memref_slice %arg2[%add3A_24, %dma_wait3A] : memref<160000x32xf32, #tpu.memory_space<hbm>> -> memref<1000x32xf32, #tpu.memory_space<hbm>>
      %dma_wait3A_34 = arith.constant 0 : i32
      %dma_wait3A_35 = tpu.memref_slice %arg2[%add3A_24, %dma_wait3A_34] : memref<160000x32xf32, #tpu.memory_space<hbm>> -> memref<1000x32xf32, #tpu.memory_space<hbm>>
      tpu.wait_dma2 semaphore(%run_scoped3A : memref<!tpu.dma_semaphore, #tpu.memory_space<semaphore_mem>>) src(%dma_wait3A_35 : memref<1000x32xf32, #tpu.memory_space<hbm>>) dst(%arg7 : memref<1000x32xf32, #tpu.memory_space<vmem>>)
      tpu.yield
    }) : () -> ()
    "tpu.region"() ({
      %run_scoped3A = tpu.sem_alloc : memref<!tpu.dma_semaphore, #tpu.memory_space<semaphore_mem>>
      %dma_start3A = arith.constant 0 : i32
      %dma_start3A_30 = arith.constant 0 : i32
      %dma_start3A_31 = tpu.memref_slice %arg8[%dma_start3A, %dma_start3A_30] : memref<10000x32xf32, #tpu.memory_space<vmem_shared>> -> memref<10000x32xf32, #tpu.memory_space<vmem_shared>>
      tpu.enqueue_indirect_dma source(%arg7 : memref<1000x32xf32, #tpu.memory_space<vmem>>) target(%dma_start3A_31 : memref<10000x32xf32, #tpu.memory_space<vmem_shared>>) offsets(%arg6 : memref<1000xi32, #tpu.memory_space<vmem>>) semaphore(%run_scoped3A : memref<!tpu.dma_semaphore, #tpu.memory_space<semaphore_mem>>) {add = true}
      %dma_wait3A = arith.constant 0 : i32
      %dma_wait3A_32 = arith.constant 0 : i32
      %dma_wait3A_33 = tpu.memref_slice %arg8[%dma_wait3A, %dma_wait3A_32] : memref<10000x32xf32, #tpu.memory_space<vmem_shared>> -> memref<10000x32xf32, #tpu.memory_space<vmem_shared>>
      tpu.wait_indirect_dma semaphore(%run_scoped3A : memref<!tpu.dma_semaphore, #tpu.memory_space<semaphore_mem>>) src(%arg7 : memref<1000x32xf32, #tpu.memory_space<vmem>>) dst(%dma_wait3A_33 : memref<10000x32xf32, #tpu.memory_space<vmem_shared>>)
      tpu.yield
    }) : () -> ()
    %barrier3A_25 = arith.constant 0 : index
    tpu.barrier barrier_id(%barrier3A_25)
    %mul3A_26 = arith.constant 625 : i32
    %mul3A_27 = arith.muli %arg1, %mul3A_26 : i32
    %mul3A_28 = arith.constant 625 : i32
    %mul3A_29 = arith.muli %arg1, %mul3A_28 : i32
    "tpu.region"() ({
      %run_scoped3A = tpu.sem_alloc : memref<!tpu.dma_semaphore, #tpu.memory_space<semaphore_mem>>
      %dma_start3A = arith.constant 0 : i32
      %dma_start3A_30 = tpu.memref_slice %arg5[%arg0, %mul3A_29, %dma_start3A] : memref<2x10000x32xf32, #tpu.memory_space<hbm>> -> memref<1x625x32xf32, #tpu.memory_space<hbm>>
      %dma_start3A_31 = tpu.memref_squeeze %dma_start3A_30 : memref<1x625x32xf32, #tpu.memory_space<hbm>> -> memref<625x32xf32, #tpu.memory_space<hbm>>
      %dma_start3A_32 = arith.constant 0 : i32
      %dma_start3A_33 = tpu.memref_slice %arg8[%mul3A_27, %dma_start3A_32] : memref<10000x32xf32, #tpu.memory_space<vmem_shared>> -> memref<625x32xf32, #tpu.memory_space<vmem_shared>>
      tpu.enqueue_dma source(%dma_start3A_33 : memref<625x32xf32, #tpu.memory_space<vmem_shared>>) target(%dma_start3A_31 : memref<625x32xf32, #tpu.memory_space<hbm>>) target_semaphore(%run_scoped3A : memref<!tpu.dma_semaphore, #tpu.memory_space<semaphore_mem>>)
      %dma_wait3A = arith.constant 0 : i32
      %dma_wait3A_34 = tpu.memref_slice %arg5[%arg0, %mul3A_29, %dma_wait3A] : memref<2x10000x32xf32, #tpu.memory_space<hbm>> -> memref<1x625x32xf32, #tpu.memory_space<hbm>>
      %dma_wait3A_35 = tpu.memref_squeeze %dma_wait3A_34 : memref<1x625x32xf32, #tpu.memory_space<hbm>> -> memref<625x32xf32, #tpu.memory_space<hbm>>
      %dma_wait3A_36 = arith.constant 0 : i32
      %dma_wait3A_37 = tpu.memref_slice %arg8[%mul3A_27, %dma_wait3A_36] : memref<10000x32xf32, #tpu.memory_space<vmem_shared>> -> memref<625x32xf32, #tpu.memory_space<vmem_shared>>
      tpu.wait_dma2 semaphore(%run_scoped3A : memref<!tpu.dma_semaphore, #tpu.memory_space<semaphore_mem>>) src(%dma_wait3A_37 : memref<625x32xf32, #tpu.memory_space<vmem_shared>>) dst(%dma_wait3A_35 : memref<625x32xf32, #tpu.memory_space<hbm>>)
      tpu.yield
    }) : () -> ()
    return
  }
}

#map = affine_map<(d0, d1) -> (0, 0)>
#map1 = affine_map<(d0, d1) -> (0)>
module attributes {stable_mosaic.version = 14 : i64} {
  func.func @gather_k(%arg0: i32, %arg1: i32, %arg2: memref<10000x16xf32, #tpu.memory_space<hbm>>, %arg3: memref<160000xi32, #tpu.memory_space<hbm>>, %arg4: memref<160000x16xf32, #tpu.memory_space<hbm>>, %arg5: memref<5000xi32, #tpu.memory_space<vmem>>, %arg6: memref<5000x16xf32, #tpu.memory_space<vmem>>, %arg7: memref<!tpu.dma_semaphore, #tpu.memory_space<semaphore_mem>>) attributes {dimension_semantics = [#tpu.dimension_semantics<core_parallel>, #tpu.dimension_semantics<subcore_parallel>], iteration_bounds = array<i64: 2, 16>, scalar_prefetch = 0 : i64, scratch_operands = 3 : i64, tpu.core_type = #tpu.core_type<sc_vector_subcore>, window_params = [{transform_indices = #map}, {transform_indices = #map1}, {transform_indices = #map}]} {
    %mul3A = arith.constant 2 : i32
    %mul3A_0 = arith.muli %arg1, %mul3A : i32
    %add3A = arith.addi %mul3A_0, %arg0 : i32
    %mul3A_1 = arith.constant 5000 : i32
    %mul3A_2 = arith.muli %add3A, %mul3A_1 : i32
    "tpu.region"() ({
      %run_scoped3A = tpu.sem_alloc : memref<!tpu.dma_semaphore, #tpu.memory_space<semaphore_mem>>
      %dma_start3A_7 = tpu.memref_slice %arg3[%mul3A_2] : memref<160000xi32, #tpu.memory_space<hbm>> -> memref<5000xi32, #tpu.memory_space<hbm>>
      %dma_start3A_8 = tpu.memref_slice %arg3[%mul3A_2] : memref<160000xi32, #tpu.memory_space<hbm>> -> memref<5000xi32, #tpu.memory_space<hbm>>
      tpu.enqueue_dma source(%dma_start3A_8 : memref<5000xi32, #tpu.memory_space<hbm>>) target(%arg5 : memref<5000xi32, #tpu.memory_space<vmem>>) target_semaphore(%run_scoped3A : memref<!tpu.dma_semaphore, #tpu.memory_space<semaphore_mem>>)
      %dma_wait3A_9 = tpu.memref_slice %arg3[%mul3A_2] : memref<160000xi32, #tpu.memory_space<hbm>> -> memref<5000xi32, #tpu.memory_space<hbm>>
      %dma_wait3A_10 = tpu.memref_slice %arg3[%mul3A_2] : memref<160000xi32, #tpu.memory_space<hbm>> -> memref<5000xi32, #tpu.memory_space<hbm>>
      tpu.wait_dma2 semaphore(%run_scoped3A : memref<!tpu.dma_semaphore, #tpu.memory_space<semaphore_mem>>) src(%dma_wait3A_10 : memref<5000xi32, #tpu.memory_space<hbm>>) dst(%arg5 : memref<5000xi32, #tpu.memory_space<vmem>>)
      tpu.yield
    }) : () -> ()
    %dma_start3A = arith.constant 0 : i32
    %dma_start3A_3 = arith.constant 0 : i32
    %dma_start3A_4 = tpu.memref_slice %arg2[%dma_start3A, %dma_start3A_3] : memref<10000x16xf32, #tpu.memory_space<hbm>> -> memref<10000x16xf32, #tpu.memory_space<hbm>>
    tpu.enqueue_indirect_dma source(%dma_start3A_4 : memref<10000x16xf32, #tpu.memory_space<hbm>>) target(%arg6 : memref<5000x16xf32, #tpu.memory_space<vmem>>) offsets(%arg5 : memref<5000xi32, #tpu.memory_space<vmem>>) semaphore(%arg7 : memref<!tpu.dma_semaphore, #tpu.memory_space<semaphore_mem>>)
    %dma_wait3A = arith.constant 0 : i32
    %dma_wait3A_5 = arith.constant 0 : i32
    %dma_wait3A_6 = tpu.memref_slice %arg2[%dma_wait3A, %dma_wait3A_5] : memref<10000x16xf32, #tpu.memory_space<hbm>> -> memref<10000x16xf32, #tpu.memory_space<hbm>>
    tpu.wait_indirect_dma semaphore(%arg7 : memref<!tpu.dma_semaphore, #tpu.memory_space<semaphore_mem>>) src(%dma_wait3A_6 : memref<10000x16xf32, #tpu.memory_space<hbm>>) dst(%arg6 : memref<5000x16xf32, #tpu.memory_space<vmem>>)
    "tpu.region"() ({
      %run_scoped3A = tpu.sem_alloc : memref<!tpu.dma_semaphore, #tpu.memory_space<semaphore_mem>>
      %dma_start3A_7 = arith.constant 0 : i32
      %dma_start3A_8 = tpu.memref_slice %arg4[%mul3A_2, %dma_start3A_7] : memref<160000x16xf32, #tpu.memory_space<hbm>> -> memref<5000x16xf32, #tpu.memory_space<hbm>>
      %dma_start3A_9 = arith.constant 0 : i32
      %dma_start3A_10 = tpu.memref_slice %arg4[%mul3A_2, %dma_start3A_9] : memref<160000x16xf32, #tpu.memory_space<hbm>> -> memref<5000x16xf32, #tpu.memory_space<hbm>>
      tpu.enqueue_dma source(%arg6 : memref<5000x16xf32, #tpu.memory_space<vmem>>) target(%dma_start3A_10 : memref<5000x16xf32, #tpu.memory_space<hbm>>) target_semaphore(%run_scoped3A : memref<!tpu.dma_semaphore, #tpu.memory_space<semaphore_mem>>)
      %dma_wait3A_11 = arith.constant 0 : i32
      %dma_wait3A_12 = tpu.memref_slice %arg4[%mul3A_2, %dma_wait3A_11] : memref<160000x16xf32, #tpu.memory_space<hbm>> -> memref<5000x16xf32, #tpu.memory_space<hbm>>
      %dma_wait3A_13 = arith.constant 0 : i32
      %dma_wait3A_14 = tpu.memref_slice %arg4[%mul3A_2, %dma_wait3A_13] : memref<160000x16xf32, #tpu.memory_space<hbm>> -> memref<5000x16xf32, #tpu.memory_space<hbm>>
      tpu.wait_dma2 semaphore(%run_scoped3A : memref<!tpu.dma_semaphore, #tpu.memory_space<semaphore_mem>>) src(%arg6 : memref<5000x16xf32, #tpu.memory_space<vmem>>) dst(%dma_wait3A_14 : memref<5000x16xf32, #tpu.memory_space<hbm>>)
      tpu.yield
    }) : () -> ()
    return
  }
}

module attributes {stable_mosaic.version = 14 : i64} {
  func.func @_mega_body(%arg0: i32, %arg1: memref<2x6400xf32, #tpu.memory_space<vmem>>, %arg2: memref<2x256xf32, #tpu.memory_space<vmem>>, %arg3: memref<1x256xf32, #tpu.memory_space<vmem>>, %arg4: memref<1x256xf32, #tpu.memory_space<vmem>>, %arg5: memref<1x256xf32, #tpu.memory_space<vmem>>, %arg6: memref<10000x16xf32, #tpu.memory_space<vmem>>, %arg7: memref<16x16xf32, #tpu.memory_space<vmem>>, %arg8: memref<1x16xf32, #tpu.memory_space<vmem>>, %arg9: memref<6400x16xf32, #tpu.memory_space<vmem>>, %arg10: memref<2x6400xf32, #tpu.memory_space<vmem>>, %arg11: memref<16x256xf32, #tpu.memory_space<vmem>>, %arg12: memref<256x32xf32, #tpu.memory_space<vmem>>, %arg13: memref<6400x32xf32, #tpu.memory_space<vmem>>, %arg14: memref<10000x16xf32, #tpu.memory_space<vmem>>, %arg15: memref<8x6400xf32, #tpu.memory_space<vmem>>, %arg16: memref<8x256xf32, #tpu.memory_space<vmem>>) attributes {dimension_semantics = [#tpu.dimension_semantics<arbitrary>], iteration_bounds = array<i64: 50>, scalar_prefetch = 0 : i64, scratch_operands = 2 : i64, tpu.core_type = #tpu.core_type<tc>, window_params = [{transform_indices = @transform_0, window_bounds = array<i64: 2, 6400>}, {pipeline_mode = #tpu.pipeline_mode<synchronous>, transform_indices = @transform_1, window_bounds = array<i64: 2, 256>}, {pipeline_mode = #tpu.pipeline_mode<synchronous>, transform_indices = @transform_2, window_bounds = array<i64: 1, 256>}, {pipeline_mode = #tpu.pipeline_mode<synchronous>, transform_indices = @transform_3, window_bounds = array<i64: 1, 256>}, {pipeline_mode = #tpu.pipeline_mode<synchronous>, transform_indices = @transform_4, window_bounds = array<i64: 1, 256>}, {pipeline_mode = #tpu.pipeline_mode<synchronous>, transform_indices = @transform_5, window_bounds = array<i64: 10000, 16>}, {pipeline_mode = #tpu.pipeline_mode<synchronous>, transform_indices = @transform_6, window_bounds = array<i64: 16, 16>}, {pipeline_mode = #tpu.pipeline_mode<synchronous>, transform_indices = @transform_7, window_bounds = array<i64: 1, 16>}, {transform_indices = @transform_8, window_bounds = array<i64: 6400, 16>}, {transform_indices = @transform_9, window_bounds = array<i64: 2, 6400>}, {pipeline_mode = #tpu.pipeline_mode<synchronous>, transform_indices = @transform_10, window_bounds = array<i64: 16, 256>}, {pipeline_mode = #tpu.pipeline_mode<synchronous>, transform_indices = @transform_11, window_bounds = array<i64: 256, 32>}, {transform_indices = @transform_12, window_bounds = array<i64: 6400, 32>}, {pipeline_mode = #tpu.pipeline_mode<synchronous>, transform_indices = @transform_13, window_bounds = array<i64: 10000, 16>}]} {
    %eq3A = arith.constant 0 : i32
    %eq3A_0 = arith.cmpi eq, %arg0, %eq3A : i32
    %convert_element_type3A = arith.extui %eq3A_0 : i1 to i32
    %cond3A = arith.constant 0 : i32
    %cond3A_1 = arith.cmpi ne, %convert_element_type3A, %cond3A : i32
    scf.if %cond3A_1 {
      %broadcast_in_dim3A = arith.constant 0.000000e+00 : f32
      %broadcast_in_dim3A_15 = vector.broadcast %broadcast_in_dim3A : f32 to vector<8x6400xf32>
      %swap3A = arith.constant 0 : index
      %swap3A_16 = arith.constant 0 : index
      %swap3A_17 = vector.load %arg15[%swap3A, %swap3A_16] : memref<8x6400xf32, #tpu.memory_space<vmem>>, vector<8x6400xf32>
      tpu.vector_store %arg15[%swap3A, %swap3A_16], %broadcast_in_dim3A_15 {strides = array<i32>} : memref<8x6400xf32, #tpu.memory_space<vmem>>, vector<8x6400xf32>,
    } else {
    }
    %lt3A = arith.constant 25 : i32
    %lt3A_2 = arith.cmpi slt, %arg0, %lt3A : i32
    %convert_element_type3A_3 = arith.extui %lt3A_2 : i1 to i32
    %cond3A_4 = arith.constant 0 : i32
    %cond3A_5 = arith.cmpi ne, %convert_element_type3A_3, %cond3A_4 : i32
    scf.if %cond3A_5 {
      %get3A = arith.constant 0 : index
      %get3A_15 = arith.constant 0 : index
      %get3A_16 = vector.load %arg1[%get3A, %get3A_15] : memref<2x6400xf32, #tpu.memory_space<vmem>>, vector<1x6400xf32>
      %get3A_17 = arith.constant 1 : index
      %get3A_18 = arith.constant 0 : index
      %get3A_19 = vector.load %arg1[%get3A_17, %get3A_18] : memref<2x6400xf32, #tpu.memory_space<vmem>>, vector<1x6400xf32>
      %get3A_20 = arith.constant 0 : index
      %get3A_21 = arith.constant 0 : index
      %get3A_22 = vector.load %arg15[%get3A_20, %get3A_21] : memref<8x6400xf32, #tpu.memory_space<vmem>>, vector<1x6400xf32>
      %add3A = arith.addf %get3A_22, %get3A_16 : vector<1x6400xf32>
      %swap3A = arith.constant 0 : index
      %swap3A_23 = arith.constant 0 : index
      %swap3A_24 = vector.load %arg15[%swap3A, %swap3A_23] : memref<8x6400xf32, #tpu.memory_space<vmem>>, vector<1x6400xf32>
      tpu.vector_store %arg15[%swap3A, %swap3A_23], %add3A {strides = array<i32>} : memref<8x6400xf32, #tpu.memory_space<vmem>>, vector<1x6400xf32>,
      %get3A_25 = arith.constant 1 : index
      %get3A_26 = arith.constant 0 : index
      %get3A_27 = vector.load %arg15[%get3A_25, %get3A_26] : memref<8x6400xf32, #tpu.memory_space<vmem>>, vector<1x6400xf32>
      %add3A_28 = arith.addf %get3A_27, %get3A_19 : vector<1x6400xf32>
      %swap3A_29 = arith.constant 1 : index
      %swap3A_30 = arith.constant 0 : index
      %swap3A_31 = vector.load %arg15[%swap3A_29, %swap3A_30] : memref<8x6400xf32, #tpu.memory_space<vmem>>, vector<1x6400xf32>
      tpu.vector_store %arg15[%swap3A_29, %swap3A_30], %add3A_28 {strides = array<i32>} : memref<8x6400xf32, #tpu.memory_space<vmem>>, vector<1x6400xf32>,
      %get3A_32 = arith.constant 2 : index
      %get3A_33 = arith.constant 0 : index
      %get3A_34 = vector.load %arg15[%get3A_32, %get3A_33] : memref<8x6400xf32, #tpu.memory_space<vmem>>, vector<1x6400xf32>
      %mul3A = arith.mulf %get3A_16, %get3A_16 : vector<1x6400xf32>
      %add3A_35 = arith.addf %get3A_34, %mul3A : vector<1x6400xf32>
      %swap3A_36 = arith.constant 2 : index
      %swap3A_37 = arith.constant 0 : index
      %swap3A_38 = vector.load %arg15[%swap3A_36, %swap3A_37] : memref<8x6400xf32, #tpu.memory_space<vmem>>, vector<1x6400xf32>
      tpu.vector_store %arg15[%swap3A_36, %swap3A_37], %add3A_35 {strides = array<i32>} : memref<8x6400xf32, #tpu.memory_space<vmem>>, vector<1x6400xf32>,
      %get3A_39 = arith.constant 3 : index
      %get3A_40 = arith.constant 0 : index
      %get3A_41 = vector.load %arg15[%get3A_39, %get3A_40] : memref<8x6400xf32, #tpu.memory_space<vmem>>, vector<1x6400xf32>
      %mul3A_42 = arith.mulf %get3A_16, %get3A_19 : vector<1x6400xf32>
      %add3A_43 = arith.addf %get3A_41, %mul3A_42 : vector<1x6400xf32>
      %swap3A_44 = arith.constant 3 : index
      %swap3A_45 = arith.constant 0 : index
      %swap3A_46 = vector.load %arg15[%swap3A_44, %swap3A_45] : memref<8x6400xf32, #tpu.memory_space<vmem>>, vector<1x6400xf32>
      tpu.vector_store %arg15[%swap3A_44, %swap3A_45], %add3A_43 {strides = array<i32>} : memref<8x6400xf32, #tpu.memory_space<vmem>>, vector<1x6400xf32>,
      %get3A_47 = arith.constant 4 : index
      %get3A_48 = arith.constant 0 : index
      %get3A_49 = vector.load %arg15[%get3A_47, %get3A_48] : memref<8x6400xf32, #tpu.memory_space<vmem>>, vector<1x6400xf32>
      %mul3A_50 = arith.mulf %get3A_19, %get3A_19 : vector<1x6400xf32>
      %add3A_51 = arith.addf %get3A_49, %mul3A_50 : vector<1x6400xf32>
      %swap3A_52 = arith.constant 4 : index
      %swap3A_53 = arith.constant 0 : index
      %swap3A_54 = vector.load %arg15[%swap3A_52, %swap3A_53] : memref<8x6400xf32, #tpu.memory_space<vmem>>, vector<1x6400xf32>
      tpu.vector_store %arg15[%swap3A_52, %swap3A_53], %add3A_51 {strides = array<i32>} : memref<8x6400xf32, #tpu.memory_space<vmem>>, vector<1x6400xf32>,
    } else {
    }
    %eq3A_6 = arith.constant 24 : i32
    %eq3A_7 = arith.cmpi eq, %arg0, %eq3A_6 : i32
    %convert_element_type3A_8 = arith.extui %eq3A_7 : i1 to i32
    %cond3A_9 = arith.constant 0 : i32
    %cond3A_10 = arith.cmpi ne, %convert_element_type3A_8, %cond3A_9 : i32
    scf.if %cond3A_10 {
      %get3A = arith.constant 0 : index
      %get3A_15 = arith.constant 0 : index
      %get3A_16 = vector.load %arg15[%get3A, %get3A_15] : memref<8x6400xf32, #tpu.memory_space<vmem>>, vector<1x6400xf32>
      %reduce_sum3A = vector.shape_cast %get3A_16 : vector<1x6400xf32> to vector<1x1x6400xf32>
      %reduce_sum3A_17 = arith.constant dense<0.000000e+00> : vector<1xf32>
      %reduce_sum3A_18 = vector.multi_reduction <add>, %reduce_sum3A, %reduce_sum3A_17 [1, 2] : vector<1x1x6400xf32> to vector<1xf32>
      %reduce_sum3A_19 = vector.shape_cast %reduce_sum3A_18 : vector<1xf32> to vector<1x1x1xf32>
      %reduce_sum3A_20 = vector.extract %reduce_sum3A_19[0, 0, 0] : f32 from vector<1x1x1xf32>
      %mul3A = arith.constant 6.250000e-06 : f32
      %mul3A_21 = arith.mulf %reduce_sum3A_20, %mul3A : f32
      %get3A_22 = arith.constant 1 : index
      %get3A_23 = arith.constant 0 : index
      %get3A_24 = vector.load %arg15[%get3A_22, %get3A_23] : memref<8x6400xf32, #tpu.memory_space<vmem>>, vector<1x6400xf32>
      %reduce_sum3A_25 = vector.shape_cast %get3A_24 : vector<1x6400xf32> to vector<1x1x6400xf32>
      %reduce_sum3A_26 = arith.constant dense<0.000000e+00> : vector<1xf32>
      %reduce_sum3A_27 = vector.multi_reduction <add>, %reduce_sum3A_25, %reduce_sum3A_26 [1, 2] : vector<1x1x6400xf32> to vector<1xf32>
      %reduce_sum3A_28 = vector.shape_cast %reduce_sum3A_27 : vector<1xf32> to vector<1x1x1xf32>
      %reduce_sum3A_29 = vector.extract %reduce_sum3A_28[0, 0, 0] : f32 from vector<1x1x1xf32>
      %mul3A_30 = arith.constant 6.250000e-06 : f32
      %mul3A_31 = arith.mulf %reduce_sum3A_29, %mul3A_30 : f32
      %get3A_32 = arith.constant 2 : index
      %get3A_33 = arith.constant 0 : index
      %get3A_34 = vector.load %arg15[%get3A_32, %get3A_33] : memref<8x6400xf32, #tpu.memory_space<vmem>>, vector<1x6400xf32>
      %reduce_sum3A_35 = vector.shape_cast %get3A_34 : vector<1x6400xf32> to vector<1x1x6400xf32>
      %reduce_sum3A_36 = arith.constant dense<0.000000e+00> : vector<1xf32>
      %reduce_sum3A_37 = vector.multi_reduction <add>, %reduce_sum3A_35, %reduce_sum3A_36 [1, 2] : vector<1x1x6400xf32> to vector<1xf32>
      %reduce_sum3A_38 = vector.shape_cast %reduce_sum3A_37 : vector<1xf32> to vector<1x1x1xf32>
      %reduce_sum3A_39 = vector.extract %reduce_sum3A_38[0, 0, 0] : f32 from vector<1x1x1xf32>
      %mul3A_40 = arith.constant 6.250000e-06 : f32
      %mul3A_41 = arith.mulf %reduce_sum3A_39, %mul3A_40 : f32
      %mul3A_42 = arith.mulf %mul3A_21, %mul3A_21 : f32
      %sub3A = arith.subf %mul3A_41, %mul3A_42 : f32
      %get3A_43 = arith.constant 3 : index
      %get3A_44 = arith.constant 0 : index
      %get3A_45 = vector.load %arg15[%get3A_43, %get3A_44] : memref<8x6400xf32, #tpu.memory_space<vmem>>, vector<1x6400xf32>
      %reduce_sum3A_46 = vector.shape_cast %get3A_45 : vector<1x6400xf32> to vector<1x1x6400xf32>
      %reduce_sum3A_47 = arith.constant dense<0.000000e+00> : vector<1xf32>
      %reduce_sum3A_48 = vector.multi_reduction <add>, %reduce_sum3A_46, %reduce_sum3A_47 [1, 2] : vector<1x1x6400xf32> to vector<1xf32>
      %reduce_sum3A_49 = vector.shape_cast %reduce_sum3A_48 : vector<1xf32> to vector<1x1x1xf32>
      %reduce_sum3A_50 = vector.extract %reduce_sum3A_49[0, 0, 0] : f32 from vector<1x1x1xf32>
      %mul3A_51 = arith.constant 6.250000e-06 : f32
      %mul3A_52 = arith.mulf %reduce_sum3A_50, %mul3A_51 : f32
      %mul3A_53 = arith.mulf %mul3A_21, %mul3A_31 : f32
      %sub3A_54 = arith.subf %mul3A_52, %mul3A_53 : f32
      %get3A_55 = arith.constant 4 : index
      %get3A_56 = arith.constant 0 : index
      %get3A_57 = vector.load %arg15[%get3A_55, %get3A_56] : memref<8x6400xf32, #tpu.memory_space<vmem>>, vector<1x6400xf32>
      %reduce_sum3A_58 = vector.shape_cast %get3A_57 : vector<1x6400xf32> to vector<1x1x6400xf32>
      %reduce_sum3A_59 = arith.constant dense<0.000000e+00> : vector<1xf32>
      %reduce_sum3A_60 = vector.multi_reduction <add>, %reduce_sum3A_58, %reduce_sum3A_59 [1, 2] : vector<1x1x6400xf32> to vector<1xf32>
      %reduce_sum3A_61 = vector.shape_cast %reduce_sum3A_60 : vector<1xf32> to vector<1x1x1xf32>
      %reduce_sum3A_62 = vector.extract %reduce_sum3A_61[0, 0, 0] : f32 from vector<1x1x1xf32>
      %mul3A_63 = arith.constant 6.250000e-06 : f32
      %mul3A_64 = arith.mulf %reduce_sum3A_62, %mul3A_63 : f32
      %mul3A_65 = arith.mulf %mul3A_31, %mul3A_31 : f32
      %sub3A_66 = arith.subf %mul3A_64, %mul3A_65 : f32
      %get3A_67 = arith.constant 0 : index
      %get3A_68 = arith.constant 0 : index
      %get3A_69 = vector.load %arg2[%get3A_67, %get3A_68] : memref<2x256xf32, #tpu.memory_space<vmem>>, vector<1x256xf32>
      %get3A_70 = arith.constant 1 : index
      %get3A_71 = arith.constant 0 : index
      %get3A_72 = vector.load %arg2[%get3A_70, %get3A_71] : memref<2x256xf32, #tpu.memory_space<vmem>>, vector<1x256xf32>
      %mul3A_73 = vector.broadcast %mul3A_21 : f32 to vector<1x256xf32>
      %mul3A_74 = arith.mulf %get3A_69, %mul3A_73 : vector<1x256xf32>
      %mul3A_75 = vector.broadcast %mul3A_31 : f32 to vector<1x256xf32>
      %mul3A_76 = arith.mulf %get3A_72, %mul3A_75 : vector<1x256xf32>
      %add3A = arith.addf %mul3A_74, %mul3A_76 : vector<1x256xf32>
      %get3A_77 = arith.constant 0 : index
      %get3A_78 = arith.constant 0 : index
      %get3A_79 = vector.load %arg3[%get3A_77, %get3A_78] : memref<1x256xf32, #tpu.memory_space<vmem>>, vector<1x256xf32>
      %add3A_80 = arith.addf %add3A, %get3A_79 : vector<1x256xf32>
      %mul3A_81 = arith.mulf %get3A_69, %get3A_69 : vector<1x256xf32>
      %mul3A_82 = vector.broadcast %sub3A : f32 to vector<1x256xf32>
      %mul3A_83 = arith.mulf %mul3A_81, %mul3A_82 : vector<1x256xf32>
      %mul3A_84 = arith.mulf %get3A_69, %get3A_72 : vector<1x256xf32>
      %mul3A_85 = arith.constant 2.000000e+00 : f32
      %mul3A_86 = vector.broadcast %mul3A_85 : f32 to vector<1x256xf32>
      %mul3A_87 = arith.mulf %mul3A_86, %mul3A_84 : vector<1x256xf32>
      %mul3A_88 = vector.broadcast %sub3A_54 : f32 to vector<1x256xf32>
      %mul3A_89 = arith.mulf %mul3A_87, %mul3A_88 : vector<1x256xf32>
      %add3A_90 = arith.addf %mul3A_83, %mul3A_89 : vector<1x256xf32>
      %mul3A_91 = arith.mulf %get3A_72, %get3A_72 : vector<1x256xf32>
      %mul3A_92 = vector.broadcast %sub3A_66 : f32 to vector<1x256xf32>
      %mul3A_93 = arith.mulf %mul3A_91, %mul3A_92 : vector<1x256xf32>
      %add3A_94 = arith.addf %add3A_90, %mul3A_93 : vector<1x256xf32>
      %get3A_95 = arith.constant 0 : index
      %get3A_96 = arith.constant 0 : index
      %get3A_97 = vector.load %arg4[%get3A_95, %get3A_96] : memref<1x256xf32, #tpu.memory_space<vmem>>, vector<1x256xf32>
      %add3A_98 = arith.constant 9.99999974E-6 : f32
      %add3A_99 = vector.broadcast %add3A_98 : f32 to vector<1x256xf32>
      %add3A_100 = arith.addf %add3A_94, %add3A_99 : vector<1x256xf32>
      %rsqrt3A = math.rsqrt %add3A_100 : vector<1x256xf32>
      %mul3A_101 = arith.mulf %get3A_97, %rsqrt3A : vector<1x256xf32>
      %mul3A_102 = arith.mulf %get3A_69, %mul3A_101 : vector<1x256xf32>
      %swap3A = arith.constant 0 : index
      %swap3A_103 = arith.constant 0 : index
      %swap3A_104 = vector.load %arg16[%swap3A, %swap3A_103] : memref<8x256xf32, #tpu.memory_space<vmem>>, vector<1x256xf32>
      tpu.vector_store %arg16[%swap3A, %swap3A_103], %mul3A_102 {strides = array<i32>} : memref<8x256xf32, #tpu.memory_space<vmem>>, vector<1x256xf32>,
      %mul3A_105 = arith.mulf %get3A_72, %mul3A_101 : vector<1x256xf32>
      %swap3A_106 = arith.constant 1 : index
      %swap3A_107 = arith.constant 0 : index
      %swap3A_108 = vector.load %arg16[%swap3A_106, %swap3A_107] : memref<8x256xf32, #tpu.memory_space<vmem>>, vector<1x256xf32>
      tpu.vector_store %arg16[%swap3A_106, %swap3A_107], %mul3A_105 {strides = array<i32>} : memref<8x256xf32, #tpu.memory_space<vmem>>, vector<1x256xf32>,
      %get3A_109 = arith.constant 0 : index
      %get3A_110 = arith.constant 0 : index
      %get3A_111 = vector.load %arg3[%get3A_109, %get3A_110] : memref<1x256xf32, #tpu.memory_space<vmem>>, vector<1x256xf32>
      %sub3A_112 = arith.subf %get3A_111, %add3A_80 : vector<1x256xf32>
      %mul3A_113 = arith.mulf %sub3A_112, %mul3A_101 : vector<1x256xf32>
      %get3A_114 = arith.constant 0 : index
      %get3A_115 = arith.constant 0 : index
      %get3A_116 = vector.load %arg5[%get3A_114, %get3A_115] : memref<1x256xf32, #tpu.memory_space<vmem>>, vector<1x256xf32>
      %add3A_117 = arith.addf %mul3A_113, %get3A_116 : vector<1x256xf32>
      %swap3A_118 = arith.constant 2 : index
      %swap3A_119 = arith.constant 0 : index
      %swap3A_120 = vector.load %arg16[%swap3A_118, %swap3A_119] : memref<8x256xf32, #tpu.memory_space<vmem>>, vector<1x256xf32>
      tpu.vector_store %arg16[%swap3A_118, %swap3A_119], %add3A_117 {strides = array<i32>} : memref<8x256xf32, #tpu.memory_space<vmem>>, vector<1x256xf32>,
      %get3A_121 = arith.constant 0 : index
      %get3A_122 = arith.constant 0 : index
      %get3A_123 = vector.load %arg6[%get3A_121, %get3A_122] : memref<10000x16xf32, #tpu.memory_space<vmem>>, vector<10000x16xf32>
      %get3A_124 = arith.constant 0 : index
      %get3A_125 = arith.constant 0 : index
      %get3A_126 = vector.load %arg7[%get3A_124, %get3A_125] : memref<16x16xf32, #tpu.memory_space<vmem>>, vector<16x16xf32>
      %dot_general3A = arith.constant dense<0.000000e+00> : vector<10000x16xf32>
      %dot_general3A_127 = tpu.matmul %get3A_123, %get3A_126, %dot_general3A {dimension_numbers = #tpu.dot_dimension_numbers<[1], [0], [0], [1], [0, 0, 1, 1], [], []>, transpose_lhs_hint = false} : vector<10000x16xf32>, vector<16x16xf32>, vector<10000x16xf32> -> vector<10000x16xf32>
      %get3A_128 = arith.constant 0 : index
      %get3A_129 = arith.constant 0 : index
      %get3A_130 = vector.load %arg8[%get3A_128, %get3A_129] : memref<1x16xf32, #tpu.memory_space<vmem>>, vector<1x16xf32>
      %add3A_131 = vector.broadcast %get3A_130 : vector<1x16xf32> to vector<10000x16xf32>
      %add3A_132 = arith.addf %dot_general3A_127, %add3A_131 : vector<10000x16xf32>
      %swap3A_133 = arith.constant 0 : index
      %swap3A_134 = arith.constant 0 : index
      %swap3A_135 = vector.load %arg14[%swap3A_133, %swap3A_134] : memref<10000x16xf32, #tpu.memory_space<vmem>>, vector<10000x16xf32>
      tpu.vector_store %arg14[%swap3A_133, %swap3A_134], %add3A_132 {strides = array<i32>} : memref<10000x16xf32, #tpu.memory_space<vmem>>, vector<10000x16xf32>,
    } else {
    }
    %ge3A = arith.constant 25 : i32
    %ge3A_11 = arith.cmpi sge, %arg0, %ge3A : i32
    %convert_element_type3A_12 = arith.extui %ge3A_11 : i1 to i32
    %cond3A_13 = arith.constant 0 : i32
    %cond3A_14 = arith.cmpi ne, %convert_element_type3A_12, %cond3A_13 : i32
    scf.if %cond3A_14 {
      %get3A = arith.constant 0 : index
      %get3A_15 = arith.constant 0 : index
      %get3A_16 = vector.load %arg16[%get3A, %get3A_15] : memref<8x256xf32, #tpu.memory_space<vmem>>, vector<2x256xf32>
      %get3A_17 = arith.constant 2 : index
      %get3A_18 = arith.constant 0 : index
      %get3A_19 = vector.load %arg16[%get3A_17, %get3A_18] : memref<8x256xf32, #tpu.memory_space<vmem>>, vector<1x256xf32>
      %get3A_20 = arith.constant 0 : index
      %get3A_21 = arith.constant 0 : index
      %get3A_22 = vector.load %arg10[%get3A_20, %get3A_21] : memref<2x6400xf32, #tpu.memory_space<vmem>>, vector<2x6400xf32>
      %dot_general3A = arith.constant dense<0.000000e+00> : vector<6400x256xf32>
      %dot_general3A_23 = tpu.matmul %get3A_22, %get3A_16, %dot_general3A {dimension_numbers = #tpu.dot_dimension_numbers<[0], [0], [1], [1], [0, 1, 1, 1], [], []>, transpose_lhs_hint = false} : vector<2x6400xf32>, vector<2x256xf32>, vector<6400x256xf32> -> vector<6400x256xf32>
      %add3A = vector.broadcast %get3A_19 : vector<1x256xf32> to vector<6400x256xf32>
      %add3A_24 = arith.addf %dot_general3A_23, %add3A : vector<6400x256xf32>
      %tanh3A = math.tanh %add3A_24 : vector<6400x256xf32>
      %get3A_25 = arith.constant 0 : index
      %get3A_26 = arith.constant 0 : index
      %get3A_27 = vector.load %arg9[%get3A_25, %get3A_26] : memref<6400x16xf32, #tpu.memory_space<vmem>>, vector<6400x16xf32>
      %get3A_28 = arith.constant 0 : index
      %get3A_29 = arith.constant 0 : index
      %get3A_30 = vector.load %arg11[%get3A_28, %get3A_29] : memref<16x256xf32, #tpu.memory_space<vmem>>, vector<16x256xf32>
      %dot_general3A_31 = arith.constant dense<0.000000e+00> : vector<6400x256xf32>
      %dot_general3A_32 = tpu.matmul %get3A_27, %get3A_30, %dot_general3A_31 {dimension_numbers = #tpu.dot_dimension_numbers<[1], [0], [0], [1], [0, 0, 1, 1], [], []>, transpose_lhs_hint = false} : vector<6400x16xf32>, vector<16x256xf32>, vector<6400x256xf32> -> vector<6400x256xf32>
      %mul3A = arith.mulf %dot_general3A_32, %tanh3A : vector<6400x256xf32>
      %get3A_33 = arith.constant 0 : index
      %get3A_34 = arith.constant 0 : index
      %get3A_35 = vector.load %arg12[%get3A_33, %get3A_34] : memref<256x32xf32, #tpu.memory_space<vmem>>, vector<256x32xf32>
      %dot_general3A_36 = arith.constant dense<0.000000e+00> : vector<6400x32xf32>
      %dot_general3A_37 = tpu.matmul %mul3A, %get3A_35, %dot_general3A_36 {dimension_numbers = #tpu.dot_dimension_numbers<[1], [0], [0], [1], [0, 0, 1, 1], [], []>, transpose_lhs_hint = false} : vector<6400x256xf32>, vector<256x32xf32>, vector<6400x32xf32> -> vector<6400x32xf32>
      %iota3A = tpu.iota {dimensions = array<i32: 1>} : vector<6400x32xi32>
      %eq3A_38 = arith.constant 16 : i32
      %eq3A_39 = vector.broadcast %eq3A_38 : i32 to vector<6400x32xi32>
      %eq3A_40 = arith.cmpi eq, %iota3A, %eq3A_39 : vector<6400x32xi32>
      %convert_element_type3A_41 = arith.extui %eq3A_40 : vector<6400x32xi1> to vector<6400x32xi32>
      %convert_element_type3A_42 = arith.sitofp %convert_element_type3A_41 : vector<6400x32xi32> to vector<6400x32xf32>
      %add3A_43 = arith.addf %dot_general3A_37, %convert_element_type3A_42 : vector<6400x32xf32>
      %swap3A = arith.constant 0 : index
      %swap3A_44 = arith.constant 0 : index
      %swap3A_45 = vector.load %arg13[%swap3A, %swap3A_44] : memref<6400x32xf32, #tpu.memory_space<vmem>>, vector<6400x32xf32>
      tpu.vector_store %arg13[%swap3A, %swap3A_44], %add3A_43 {strides = array<i32>} : memref<6400x32xf32, #tpu.memory_space<vmem>>, vector<6400x32xf32>,
    } else {
    }
    return
  }
  func.func @transform_0(%arg0: i32) -> (i32, i32) {
    %min3A = arith.constant 24 : i32
    %min3A_0 = arith.minsi %arg0, %min3A : i32
    %c0_i32 = arith.constant 0 : i32
    %c0_i32_1 = arith.constant 0 : i32
    return %c0_i32, %min3A_0 : i32, i32
  }
  func.func @transform_1(%arg0: i32) -> (i32, i32) {
    %c0_i32 = arith.constant 0 : i32
    %c0_i32_0 = arith.constant 0 : i32
    %c0_i32_1 = arith.constant 0 : i32
    return %c0_i32, %c0_i32_0 : i32, i32
  }
  func.func @transform_2(%arg0: i32) -> (i32, i32) {
    %c0_i32 = arith.constant 0 : i32
    %c0_i32_0 = arith.constant 0 : i32
    %c0_i32_1 = arith.constant 0 : i32
    return %c0_i32, %c0_i32_0 : i32, i32
  }
  func.func @transform_3(%arg0: i32) -> (i32, i32) {
    %c0_i32 = arith.constant 0 : i32
    %c0_i32_0 = arith.constant 0 : i32
    %c0_i32_1 = arith.constant 0 : i32
    return %c0_i32, %c0_i32_0 : i32, i32
  }
  func.func @transform_4(%arg0: i32) -> (i32, i32) {
    %c0_i32 = arith.constant 0 : i32
    %c0_i32_0 = arith.constant 0 : i32
    %c0_i32_1 = arith.constant 0 : i32
    return %c0_i32, %c0_i32_0 : i32, i32
  }
  func.func @transform_5(%arg0: i32) -> (i32, i32) {
    %c0_i32 = arith.constant 0 : i32
    %c0_i32_0 = arith.constant 0 : i32
    %c0_i32_1 = arith.constant 0 : i32
    return %c0_i32, %c0_i32_0 : i32, i32
  }
  func.func @transform_6(%arg0: i32) -> (i32, i32) {
    %c0_i32 = arith.constant 0 : i32
    %c0_i32_0 = arith.constant 0 : i32
    %c0_i32_1 = arith.constant 0 : i32
    return %c0_i32, %c0_i32_0 : i32, i32
  }
  func.func @transform_7(%arg0: i32) -> (i32, i32) {
    %c0_i32 = arith.constant 0 : i32
    %c0_i32_0 = arith.constant 0 : i32
    %c0_i32_1 = arith.constant 0 : i32
    return %c0_i32, %c0_i32_0 : i32, i32
  }
  func.func @transform_8(%arg0: i32) -> (i32, i32) {
    %sub3A = arith.constant 25 : i32
    %sub3A_0 = arith.subi %arg0, %sub3A : i32
    %max3A = arith.constant 0 : i32
    %max3A_1 = arith.maxsi %sub3A_0, %max3A : i32
    %c0_i32 = arith.constant 0 : i32
    %c0_i32_2 = arith.constant 0 : i32
    return %max3A_1, %c0_i32 : i32, i32
  }
  func.func @transform_9(%arg0: i32) -> (i32, i32) {
    %sub3A = arith.constant 25 : i32
    %sub3A_0 = arith.subi %arg0, %sub3A : i32
    %max3A = arith.constant 0 : i32
    %max3A_1 = arith.maxsi %sub3A_0, %max3A : i32
    %c0_i32 = arith.constant 0 : i32
    %c0_i32_2 = arith.constant 0 : i32
    return %c0_i32, %max3A_1 : i32, i32
  }
  func.func @transform_10(%arg0: i32) -> (i32, i32) {
    %c0_i32 = arith.constant 0 : i32
    %c0_i32_0 = arith.constant 0 : i32
    %c0_i32_1 = arith.constant 0 : i32
    return %c0_i32, %c0_i32_0 : i32, i32
  }
  func.func @transform_11(%arg0: i32) -> (i32, i32) {
    %c0_i32 = arith.constant 0 : i32
    %c0_i32_0 = arith.constant 0 : i32
    %c0_i32_1 = arith.constant 0 : i32
    return %c0_i32, %c0_i32_0 : i32, i32
  }
  func.func @transform_12(%arg0: i32) -> (i32, i32) {
    %sub3A = arith.constant 25 : i32
    %sub3A_0 = arith.subi %arg0, %sub3A : i32
    %max3A = arith.constant 0 : i32
    %max3A_1 = arith.maxsi %sub3A_0, %max3A : i32
    %c0_i32 = arith.constant 0 : i32
    %c0_i32_2 = arith.constant 0 : i32
    return %max3A_1, %c0_i32 : i32, i32
  }
  func.func @transform_13(%arg0: i32) -> (i32, i32) {
    %c0_i32 = arith.constant 0 : i32
    %c0_i32_0 = arith.constant 0 : i32
    %c0_i32_1 = arith.constant 0 : i32
    return %c0_i32, %c0_i32_0 : i32, i32
  }
}

module attributes {stable_mosaic.version = 14 : i64} {
  func.func @_final_body(%arg0: i32, %arg1: memref<10000x32xf32, #tpu.memory_space<vmem>>, %arg2: memref<10000x32xf32, #tpu.memory_space<vmem>>, %arg3: memref<10000x16xf32, #tpu.memory_space<vmem>>, %arg4: memref<10000x16xf32, #tpu.memory_space<vmem>>) attributes {dimension_semantics = [#tpu.dimension_semantics<arbitrary>], iteration_bounds = array<i64: 1>, scalar_prefetch = 0 : i64, scratch_operands = 0 : i64, tpu.core_type = #tpu.core_type<tc>, window_params = [{pipeline_mode = #tpu.pipeline_mode<synchronous>, transform_indices = @transform_0, window_bounds = array<i64: 10000, 32>}, {pipeline_mode = #tpu.pipeline_mode<synchronous>, transform_indices = @transform_1, window_bounds = array<i64: 10000, 32>}, {pipeline_mode = #tpu.pipeline_mode<synchronous>, transform_indices = @transform_2, window_bounds = array<i64: 10000, 16>}, {pipeline_mode = #tpu.pipeline_mode<synchronous>, transform_indices = @transform_3, window_bounds = array<i64: 10000, 16>}]} {
    %get3A = arith.constant 0 : index
    %get3A_0 = arith.constant 0 : index
    %get3A_1 = vector.load %arg1[%get3A, %get3A_0] : memref<10000x32xf32, #tpu.memory_space<vmem>>, vector<10000x16xf32>
    %get3A_2 = arith.constant 0 : index
    %get3A_3 = arith.constant 0 : index
    %get3A_4 = vector.load %arg2[%get3A_2, %get3A_3] : memref<10000x32xf32, #tpu.memory_space<vmem>>, vector<10000x16xf32>
    %add3A = arith.addf %get3A_1, %get3A_4 : vector<10000x16xf32>
    %get3A_5 = arith.constant 0 : index
    %get3A_6 = arith.constant 16 : index
    %get3A_7 = vector.load %arg1[%get3A_5, %get3A_6] : memref<10000x32xf32, #tpu.memory_space<vmem>>, vector<10000x1xf32>
    %get3A_8 = arith.constant 0 : index
    %get3A_9 = arith.constant 16 : index
    %get3A_10 = vector.load %arg2[%get3A_8, %get3A_9] : memref<10000x32xf32, #tpu.memory_space<vmem>>, vector<10000x1xf32>
    %add3A_11 = arith.addf %get3A_7, %get3A_10 : vector<10000x1xf32>
    %max3A = arith.constant 1.000000e+00 : f32
    %max3A_12 = vector.broadcast %max3A : f32 to vector<10000x1xf32>
    %max3A_13 = arith.maximumf %add3A_11, %max3A_12 : vector<10000x1xf32>
    %div3A = vector.broadcast %max3A_13 : vector<10000x1xf32> to vector<10000x16xf32>
    %div3A_14 = arith.divf %add3A, %div3A : vector<10000x16xf32>
    %get3A_15 = arith.constant 0 : index
    %get3A_16 = arith.constant 0 : index
    %get3A_17 = vector.load %arg3[%get3A_15, %get3A_16] : memref<10000x16xf32, #tpu.memory_space<vmem>>, vector<10000x16xf32>
    %add3A_18 = arith.addf %div3A_14, %get3A_17 : vector<10000x16xf32>
    %ge3A = arith.constant 0.000000e+00 : f32
    %ge3A_19 = vector.broadcast %ge3A : f32 to vector<10000x16xf32>
    %ge3A_20 = arith.cmpf oge, %add3A_18, %ge3A_19 : vector<10000x16xf32>
    %mul3A = arith.constant 0.00999999977 : f32
    %mul3A_21 = vector.broadcast %mul3A : f32 to vector<10000x16xf32>
    %mul3A_22 = arith.mulf %mul3A_21, %add3A_18 : vector<10000x16xf32>
    %select_n3A = arith.select %ge3A_20, %add3A_18, %mul3A_22 : vector<10000x16xi1>, vector<10000x16xf32>
    %swap3A = arith.constant 0 : index
    %swap3A_23 = arith.constant 0 : index
    %swap3A_24 = vector.load %arg4[%swap3A, %swap3A_23] : memref<10000x16xf32, #tpu.memory_space<vmem>>, vector<10000x16xf32>
    tpu.vector_store %arg4[%swap3A, %swap3A_23], %select_n3A {strides = array<i32>} : memref<10000x16xf32, #tpu.memory_space<vmem>>, vector<10000x16xf32>,
    return
  }
  func.func @transform_0(%arg0: i32) -> (i32, i32) {
    %c0_i32 = arith.constant 0 : i32
    %c0_i32_0 = arith.constant 0 : i32
    %c0_i32_1 = arith.constant 0 : i32
    return %c0_i32, %c0_i32_0 : i32, i32
  }
  func.func @transform_1(%arg0: i32) -> (i32, i32) {
    %c0_i32 = arith.constant 0 : i32
    %c0_i32_0 = arith.constant 0 : i32
    %c0_i32_1 = arith.constant 0 : i32
    return %c0_i32, %c0_i32_0 : i32, i32
  }
  func.func @transform_2(%arg0: i32) -> (i32, i32) {
    %c0_i32 = arith.constant 0 : i32
    %c0_i32_0 = arith.constant 0 : i32
    %c0_i32_1 = arith.constant 0 : i32
    return %c0_i32, %c0_i32_0 : i32, i32
  }
  func.func @transform_3(%arg0: i32) -> (i32, i32) {
    %c0_i32 = arith.constant 0 : i32
    %c0_i32_0 = arith.constant 0 : i32
    %c0_i32_1 = arith.constant 0 : i32
    return %c0_i32, %c0_i32_0 : i32, i32
  }
}

</mosaic_0001>

<sc_bundles>
// kernel: _kernel_impl.6.cloned.1.call-start
scs
__scs_entry_jumppad:
0x0: {  	(pc) =	sbr.rel $0x88, $3  }
0x1: {  	(tag) =	ssettag $0x0;
	lr =	simm.s32 $0x1  }
0x2: {  	[smem:$0x3F98] =	sst lr;
	_ =	strace $0xD0000000  }
0x3: {  	_ = 	snop  }
0x4: {  	_ = 	snop  }
0x5: {  	_ = 	snop  }
0x6: {  	_ = 	snop  }
0x7: {  	_ = 	snop  }
__scs_overlays_trampoline_lowered:
0x8: {  	[smem:$0x3FA7] =	sst s0  }
0x9: {  	[smem:$0x3FA8] =	sst s1  }
0xa: {  	[smem:$0x3FA9] =	sst s2  }
0xb: {  	[smem:$0x3FAA] =	sst s3  }
0xc: {  	[smem:$0x3FAB] =	sst s4  }
0xd: {  	[smem:$0x3FAC] =	sst s5  }
0xe: {  	[smem:$0x3FAD] =	sst s6  }
0xf: {  	[smem:$0x3FAE] =	sst s7  }
0x10: {  	[smem:$0x3FAF] =	sst s8  }
0x11: {  	[smem:$0x3FB0] =	sst s9;
	s0 =	simm.s32 @!p0 $0x0  }
0x12: {  	s1 =	sld [smem:$0x3F96];
	s0 =	simm.s32 @p0 $0x1  }
0x13: {  	[smem:$0x3FB1] =	sst s0;
	s0 =	simm.s32 @!p1 $0x0  }
0x14: {  	s2 =	sld [smem:$0x3F95];
	s0 =	simm.s32 @p1 $0x1  }
0x15: {  	[smem:$0x3FB2] =	sst s0;
	s0 =	simm.s32 @!p2 $0x0  }
0x16: {  	s3 =	sld [smem:$0x3FDB];
	s0 =	simm.s32 @p2 $0x1  }
0x17: {  	s4 =	simm.s32 $0x1BF5;
	[smem:$0x3FB4] =	sst s0  }
0x18: {  	s0 =	sld [smem:$0x3F97];
	_ =	swait.ge [sflag:s4], $0x0  }
0x19: {  	s7 =	sld [smem:$0x3F98]  }
0x1a: {  	s8 =	sadd.s32 $0xFFFFE003, lr  }
0x1b: {  	s9 =	sadd.s32 $0xFFFFFEF7, lr;
	s5 =	simm.s32 $0xFFFFFFFF;
	p2 =	slt.u32 s8, $0xFFFFF086  }
0x1c: {  	p1 =	slt.u32 s9, $0xF7A;
	s5 =	simm.s32 @!p2 $0x0  }
0x1d: {  	s5 =	simm.s32 @p1 $0x1;
	p0 =	seq.s32 s7, s2  }
0x1e: {  	s7 =	smul.u32 @!p0 $0xF7A, s2;
	p2 =	seq.s32 @!p0 s5, $0x0  }
0x1f: {  	s9 =	smul.u32 $0xF7A, s1;
	s8 =	simm.s32 @!p0 $0x1BF5;
	p2 =	por !p2, p0  }
0x20: {  	[sflag:s8] =	ssyncset.s32 @!p0 $0xFFFFF086;
	s6 =	sadd.s32 @!p0 s3, s7;
	s7 =	simm.s32 @!p0 $0x108  }
0x21: {  	s3 =	sadd.s32 s3, s9;
	s6 =	sadd.s32 @!p0 $0x88, s6;
	s7 =	simm.s32 @p2 $0x1082  }
0x22: {  	[simem:s7], [sflag:s8] =	dma.local @!p0 [hbm:s6], $0xF7A  }
0x23: {  	s9 =	sor.u32 $0xD0000000, s2;
	s6 =	simm.s32 $0x108;
	_ =	swait.ge @!p0 [sflag:s8], $0x0  }
0x24: {  	s3 =	sadd.s32 $0x88, s3;
	s6 =	simm.s32 @!p1 $0x1082;
	[sflag:s4] =	ssyncset.s32 $0xFFFFF086  }
0x25: {  	[simem:s6], [sflag:s4] =	dma.local [hbm:s3], $0xF7A  }
0x26: {  	[smem:$0x3F98] =	sst s1;
	(tag) =	ssettag s2;
	_ =	strace s9  }
0x27: {  	s1 =	sld [smem:$0x3FA8]  }
0x28: {  	s2 =	sld [smem:$0x3FA9]  }
0x29: {  	s4 =	sld [smem:$0x3FAB]  }
0x2a: {  	p0 =	seq.s32 s5, $0x0;
	s5 =	sld [smem:$0x3FAC]  }
0x2b: {  	s6 =	sld [smem:$0x3FAD]  }
0x2c: {  	s7 =	sld [smem:$0x3FAE]  }
0x2d: {  	s3 =	simm.s32 $0x108;
	s8 =	sld [smem:$0x3FAF]  }
0x2e: {  	s3 =	simm.s32 @!p0 $0x1082;
	s9 =	sld [smem:$0x3FB0]  }
0x2f: {  	lr =	sadd.s32 s0, s3;
	s0 =	sld [smem:$0x3FA7]  }
0x30: {  	s3 =	sld [smem:$0x3FAA]  }
0x31: {  	[smem:$0x3FB3] =	sst s10  }
0x32: {  	s10 =	sld [smem:$0x3FB1];
	_ =	sdelay $0x3  }
0x33: {  	p0 =	seq.s32 s10, $0x1;
	s10 =	sld [smem:$0x3FB3];
	_ =	sdelay $0x3  }
0x34: {  	[smem:$0x3FB3] =	sst s10  }
0x35: {  	s10 =	sld [smem:$0x3FB2];
	_ =	sdelay $0x3  }
0x36: {  	p1 =	seq.s32 s10, $0x1;
	s10 =	sld [smem:$0x3FB3];
	_ =	sdelay $0x3  }
0x37: {  	[smem:$0x3FB3] =	sst s10  }
0x38: {  	s10 =	sld [smem:$0x3FB4]  }
0x39: {  	_ = 	snop;
	(pc) =	sbr.ind lr, $3  }
0x3a: {  	_ = 	snop  }
0x3b: {  	_ = 	snop  }
0x3c: {  	p2 =	seq.s32 s10, $0x1;
	s10 =	sld [smem:$0x3FB3]  }
0x3d: {  	_ =	shalt  }
0x3e: {  	_ =	shalt  }
0x3f: {  	_ =	shalt  }
0x40: {  	_ =	shalt  }
0x41: {  	_ =	shalt  }
0x42: {  	_ =	shalt  }
0x43: {  	_ =	shalt  }
0x44: {  	_ =	shalt  }
0x45: {  	_ =	shalt  }
0x46: {  	_ =	shalt  }
0x47: {  	_ =	shalt  }
0x48: {  	_ =	shalt  }
0x49: {  	_ =	shalt  }
0x4a: {  	_ =	shalt  }
0x4b: {  	_ =	shalt  }
0x4c: {  	_ =	shalt  }
0x4d: {  	_ =	shalt  }
0x4e: {  	_ =	shalt  }
0x4f: {  	_ =	shalt  }
0x50: {  	_ =	shalt  }
0x51: {  	_ =	shalt  }
0x52: {  	_ =	shalt  }
0x53: {  	_ =	shalt  }
0x54: {  	_ =	shalt  }
0x55: {  	_ =	shalt  }
0x56: {  	_ =	shalt  }
0x57: {  	_ =	shalt  }
0x58: {  	_ =	shalt  }
0x59: {  	_ =	shalt  }
0x5a: {  	_ =	shalt  }
0x5b: {  	_ =	shalt  }
0x5c: {  	_ =	shalt  }
0x5d: {  	_ =	shalt  }
0x5e: {  	_ =	shalt  }
0x5f: {  	_ =	shalt  }
0x60: {  	_ =	shalt  }
0x61: {  	_ =	shalt  }
0x62: {  	_ =	shalt  }
0x63: {  	_ =	shalt  }
0x64: {  	_ =	shalt  }
0x65: {  	_ =	shalt  }
0x66: {  	_ =	shalt  }
0x67: {  	_ =	shalt  }
0x68: {  	_ =	shalt  }
0x69: {  	_ =	shalt  }
0x6a: {  	_ =	shalt  }
0x6b: {  	_ =	shalt  }
0x6c: {  	_ =	shalt  }
0x6d: {  	_ =	shalt  }
0x6e: {  	_ =	shalt  }
0x6f: {  	_ =	shalt  }
0x70: {  	_ =	shalt  }
0x71: {  	_ =	shalt  }
0x72: {  	_ =	shalt  }
0x73: {  	_ =	shalt  }
0x74: {  	_ =	shalt  }
0x75: {  	_ =	shalt  }
0x76: {  	_ =	shalt  }
0x77: {  	_ =	shalt  }
0x78: {  	_ =	shalt  }
0x79: {  	_ =	shalt  }
0x7a: {  	_ =	shalt  }
0x7b: {  	_ =	shalt  }
0x7c: {  	_ =	shalt  }
0x7d: {  	_ =	shalt  }
0x7e: {  	_ =	shalt  }
0x7f: {  	_ =	shalt  }
0x80: {  	_ =	shalt  }
0x81: {  	_ =	shalt  }
0x82: {  	_ =	shalt  }
0x83: {  	_ =	shalt  }
0x84: {  	_ =	shalt  }
0x85: {  	_ =	shalt  }
0x86: {  	_ =	shalt  }
0x87: {  	_ =	shalt  }
.Lfunc_end0:
.L_simem_size_0:
called_computation_lowered:
.L_overlay_start_0:
0x88: {  	s2 =	sld [smem:$0x3FD9]  }
0x89: {  	s3 =	sld [smem:$0x3FFE];
	_ =	sdelay $0x1  }
0x8a: {  	s1 =	srdreg.scid  }
0x8b: {  	s0 =	sand.u32 $0x1, s1  }
0x8c: {  	s17 =	sshll.u32 s0, $0xA;
	s2 =	sadd.s32 s3, s2  }
0x8d: {  	s2 =	sadd.s32 s2, s17  }
0x8e: {  	[smem:$0x3FBF] =	sst s2  }
0x8f: {  	_ = 	snop  }
0x90: {  	s2 =	sld [smem:$0x3FD0];
	(tm) =	ssettm $0x1  }
0x91: {  	s18 =	sld [smem:$0x3FFB];
	_ =	sdelay $0x3  }
0x92: {  	_ =	strace s18  }
0x93: {  	s3 =	sld [smem:$0x3FFC];
	_ =	sdelay $0x3  }
0x94: {  	_ =	strace s3  }
0x95: {  	s3 =	sld [smem:$0x3FFD];
	_ =	sdelay $0x3  }
0x96: {  	_ =	strace s3  }
0x97: {  	_ =	strace $0x8FFFFFFF  }
0x98: {  	s19 =	sld [smem:$0x3FDB];
	_ =	sdelay $0x1  }
0x99: {  	s4 =	simm.s32 $_scs_section_size  }
0x9a: {  	s5 =	simm.s32 $_size__tile_overlayer_lowered;
	s6 =	simm.s32 $_tile_overlayer_lowered  }
0x9b: {  	s22 =	simm.s32 $0x1BFF;
	s21 =	sshll.u32 s6, $0x1;
	s3 =	sadd.s32 s4, s19  }
0x9c: {  	s7 =	simm.s32 $0x0;
	s20 =	sshll.u32 s5, $0x1;
	s5 =	sadd.s32 s21, s3  }
0x9d: {  	[timem:s7], [sflag:s22] =	dma.local [hbm:s5], s20  }
0x9e: {  	_ =	swait.ge [sflag:s22], s20  }
0x9f: {  	s4 =	ssub.s32 $0x0, s20;
	[sflag:s22] =	ssyncset.done $0x0  }
0xa0: {  	[sflag:s22] =	ssyncadd.s32 s4;
	_ =	sdelay $0x1  }
0xa1: {  	s23 =	simm.s32 $0x1B8B  }
0xa2: {  	_ =	swait.ge [sflag:s23], $0x1  }
0xa3: {  	[sflag:s23] =	ssyncset.done $0x0  }
0xa4: {  	s25 =	simm.s32 $0x1B8E;
	s24 =	sld [smem:$0x3FFE];
	[sflag:s23] =	ssyncadd.s32 $0xFFFFFFFF  }
0xa5: {  	s26 =	simm.s32 $execute0_lowered;
	[smem:$0x3FD2] =	sst s25  }
0xa6: {  	s5 =	sshll.u32 s26, $0x1;
	_ =	strace $0x80000046;
	[dreg:$0x1] =	wrdreg $0xFFFFFFFF  }
0xa7: {  	s28 =	simm.s32 $_size_execute0_lowered;
	s3 =	sadd.s32 s3, s5;
	[dreg:$0x0] =	wrdreg $0x0  }
0xa8: {  	s5 =	sshll.u32 s28, $0x1;
	[dreg:$0x2] =	wrdreg s3  }
0xa9: {  	[dreg:$0x3] =	wrdreg s5  }
0xaa: {  	[dreg:$0x4] =	wrdreg $0xC0  }
0xab: {  	_ =	task [dreg:s7], $0x5FFFF  }
0xac: {  	[dreg:$0x1] =	wrdreg $0xFFFFFFFF  }
0xad: {  	[dreg:$0x0] =	wrdreg $0x60  }
0xae: {  	[dreg:$0x2] =	wrdreg s2  }
0xaf: {  	[dreg:$0x3] =	wrdreg s24  }
0xb0: {  	[dreg:$0x4] =	wrdreg $0x9  }
0xb1: {  	_ =	task.clear_ibuf [dreg:s7], $0x5FFFF;
	_ =	strace $0x90000046  }
0xb2: {  	s29 =	simm.s32 $0x9;
	_ =	strace $0x80000048  }
0xb3: {  	_ =	swait.ge [sflag:s29], $0x1  }
0xb4: {  	[sflag:s29] =	ssyncadd.s32 $0xFFFFFFFF  }
0xb5: {  	_ =	strace $0x90000048  }
0xb6: {  	_ =	sfence  }
0xb7: {  	s30 =	sld [smem:$0x0];
	_ =	sdelay $0x2  }
0xb8: {  	s31 =	sshll.u32 s1, $0xD;
	s1 =	sshrl.u32 s1, $0x2  }
0xb9: {  	s3 =	sand.u32 $0x4000, s31;
	s1 =	sadd.s32 s1, s30  }
0xba: {  	s0 =	sor.u32 s3, s0;
	s1 =	sshll.u32 s1, $0x11  }
0xbb: {  	s0 =	sor.u32 s1, s0  }
0xbc: {  	s0 =	sadd.s32 $0x8F2B, s0  }
0xbd: {  	[sflag:s0] =	ssyncadd.remote.s32 $0x1  }
0xbe: {  	_ =	sfence.sel $0xFFFF  }
0xbf: {  	[dreg:$0x0] =	wrdreg $0xFFFFFFFF;
	(pc) =	sbr.abs _section_cstart, $3  }
0xc0: {  	[dreg:$0x1] =	wrdreg $0xFFFFFFFF  }
0xc1: {  	_ =	task.clear_ibuf [dreg:s7], $0x2FFFF;
	_ =	strace $0x9FFFFFFF  }
0xc2: {  	(tm) =	ssettm $0x7FFFFFFF  }
0xc3: {  	_ =	shalt  }
tec
execute0_lowered:
.L_overlay_start_1:
0x0: {  	(tag) =	ssettag $0x1  }
0x1: {  	s1 =	srdreg.scid;
	s0 =	stileid.u32  }
0x2: {  	s2 =	rddreg [dreg:$0x0];
	s6 =	sand.u32 $0x1, s1;
	s30 =	sshll.u32 s0, $0x1  }
0x3: {  	s8 =	rddreg [dreg:$0x1];
	s7 =	sor.u32 s6, s30  }
0x4: {  	s3 =	simm.s32 $0x0;
	s1 =	rddreg [dreg:$0x2];
	s4 =	smul.u32 $0x271, s7  }
0x5: {  	[smem:$0x7FF] =	sst s3  }
0x6: {  	_ =	strace $0x80000047;
	s10 =	ssub.s32 $0x2, s6;
	s4 =	sadd.s32 s4, s8  }
0x7: {  	s6 =	simm.s32 $0x1388;
	s5 =	sadd.s32 $0x1400, s4;
	s4 =	simm.s32 $0x2  }
0x8: {  	[tilespmem:s3], [sflag:$0x2] =	stream.linear.gather [hbm4b:s5+s3], $0x1388, $0x38;
	[tilespmem:$0x14C08] =	vst v63  }
0x9: {  	s9 =	smul.u32 $0x2710, s7;
	s11 =	sshrl.u32 s10, $0x1;
	_ =	swait.ge [sflag:s4], $0x1388  }
0xa: {  	s7 =	simm.s32 $0x1;
	s31 =	ssub.s32 s10, s11;
	[sflag:s4] =	ssyncset.done $0x0  }
0xb: {  	s8 =	sadd.s32 s9, s8;
	s9 =	smax.u32 s31, $0x1;
	[sflag:s4] =	ssyncadd.s32 $0xFFFFEC78  }
0xc: {  	[tilespmem:s6], [sflag:$0x1] =	stream.indirect.gather [hbm4b:s2+s6], $0x10, s3, s6, $0xb8;
	[tilespmem:$0x14C08] =	vst v63  }
0xd: {  	p0 =	sne.s32 s9, $0x1;
	_ =	swait.ge [sflag:s7], $0x13880  }
.Ltmp0:
0xe: {  	[sflag:s7] =	ssyncset.done $0x0;
	(pc) =	sbr.rel @!p0 .LBB2_2-.Ltmp0, $4  }
0xf: {  	s8 =	sadd.s32 $0xB400, s8;
	[sflag:s7] =	ssyncadd.s32 $0xFFFEC780  }
0x10: {  	[hbm4b:s8+s3] =	stream.linear.scatter [tilespmem:s6], [sflag:$0x2], $0x13880, $0x38;
	[tilespmem:$0x14C08] =	vst v63  }
0x11: {  	_ =	swait.ge [sflag:s4], $0x13880  }
0x12: {  	s9 =	sadd.s32 $0xFFFFFFFF, s9;
	[sflag:s4] =	ssyncset.done $0x0  }
.LBB2_1:
0x13: {  	p0 =	sne.s32 s9, $0x1;
	s9 =	sadd.s32 $0xFFFFFFFF, s9;
	[sflag:s4] =	ssyncadd.s32 $0xFFFEC780  }
0x14: {  	[tilespmem:s3], [sflag:$0x2] =	stream.linear.gather [hbm4b:s5+s3], $0x1388, $0x38;
	[tilespmem:$0x14C08] =	vst v63  }
0x15: {  	_ =	swait.ge [sflag:s4], $0x1388  }
0x16: {  	[sflag:s4] =	ssyncset.done $0x0  }
0x17: {  	[sflag:s4] =	ssyncadd.s32 $0xFFFFEC78  }
0x18: {  	[tilespmem:s6], [sflag:$0x1] =	stream.indirect.gather [hbm4b:s2+s6], $0x10, s3, s6, $0xb8;
	[tilespmem:$0x14C08] =	vst v63  }
0x19: {  	_ =	swait.ge [sflag:s7], $0x13880  }
.Ltmp1:
0x1a: {  	[sflag:s7] =	ssyncset.done $0x0;
	(pc) =	sbr.rel @p0 .LBB2_1-.Ltmp1, $4  }
0x1b: {  	[sflag:s7] =	ssyncadd.s32 $0xFFFEC780  }
0x1c: {  	[hbm4b:s8+s3] =	stream.linear.scatter [tilespmem:s6], [sflag:$0x2], $0x13880, $0x38;
	[tilespmem:$0x14C08] =	vst v63  }
0x1d: {  	_ =	swait.ge [sflag:s4], $0x13880  }
0x1e: {  	[sflag:s4] =	ssyncset.done $0x0  }
.LBB2_2:
0x1f: {  	[sflag:s4] =	ssyncadd.s32 $0xFFFEC780  }
0x20: {  	_ =	sfence.sel $0x180000  }
0x21: {  	[bflag:$0x0] =	sbarrier.arrive $0xFFFF  }
0x22: {  	p0 =	sne.s32 s0, $0x0;
	_ =	strace $0x90000047  }
0x23: {  	s0 =	sadd.s32 @!p0 $0x100000, s1;
	[bflag:$0x2] =	sbarrier.arrive $0xFFFF  }
0x24: {  	[sflag:s0] =	ssyncadd.tile.s32 @!p0 $0x1;
	_ =	shalt  }
.Lfunc_end2:
_tile_overlayer_lowered:
.L_overlay_start_2:
0x25: {  	(tag) =	ssettag $0x2  }
0x26: {  	s0 =	rddreg [dreg:$0x0];
	s2 =	stileid.u32  }
0x27: {  	s1 =	rddreg [dreg:$0x1];
	p0 =	sne.s32 s2, $0x0  }
0x28: {  	s3 =	rddreg [dreg:$0x2];
	[bflag:$0x3] =	sbarrier.arrive $0xFFFF;
	s2 =	simm.s32 @!p0 $0x1C02  }
0x29: {  	[timem:s3], [sflag:s2] =	dma.local @!p0 [hbm:s0], s1  }
0x2a: {  	s0 =	simm.s32 @!p0 $0x2  }
0x2b: {  	_ =	swait.ge @!p0 [sflag:s0], s1  }
0x2c: {  	s1 =	ssub.s32 @!p0 $0x0, s1;
	[sflag:s0] =	ssyncset.done @!p0 $0x0  }
0x2d: {  	[sflag:s0] =	ssyncadd.s32 @!p0 s1  }
0x2e: {  	[bflag:$0x3] =	sbarrier.arrive $0xFFFF  }
0x2f: {  	_ =	shalt  }

// kernel: _kernel_impl.9.cloned.1.call-start
scs
__scs_entry_jumppad:
0x0: {  	(pc) =	sbr.rel $0x88, $3  }
0x1: {  	(tag) =	ssettag $0x0;
	lr =	simm.s32 $0x1  }
0x2: {  	[smem:$0x3F98] =	sst lr;
	_ =	strace $0xD0000000  }
0x3: {  	_ = 	snop  }
0x4: {  	_ = 	snop  }
0x5: {  	_ = 	snop  }
0x6: {  	_ = 	snop  }
0x7: {  	_ = 	snop  }
__scs_overlays_trampoline_lowered:
0x8: {  	[smem:$0x3FA7] =	sst s0  }
0x9: {  	[smem:$0x3FA8] =	sst s1  }
0xa: {  	[smem:$0x3FA9] =	sst s2  }
0xb: {  	[smem:$0x3FAA] =	sst s3  }
0xc: {  	[smem:$0x3FAB] =	sst s4  }
0xd: {  	[smem:$0x3FAC] =	sst s5  }
0xe: {  	[smem:$0x3FAD] =	sst s6  }
0xf: {  	[smem:$0x3FAE] =	sst s7  }
0x10: {  	[smem:$0x3FAF] =	sst s8  }
0x11: {  	[smem:$0x3FB0] =	sst s9;
	s0 =	simm.s32 @!p0 $0x0  }
0x12: {  	s1 =	sld [smem:$0x3F96];
	s0 =	simm.s32 @p0 $0x1  }
0x13: {  	[smem:$0x3FB1] =	sst s0;
	s0 =	simm.s32 @!p1 $0x0  }
0x14: {  	s2 =	sld [smem:$0x3F95];
	s0 =	simm.s32 @p1 $0x1  }
0x15: {  	[smem:$0x3FB2] =	sst s0;
	s0 =	simm.s32 @!p2 $0x0  }
0x16: {  	s3 =	sld [smem:$0x3FDB];
	s0 =	simm.s32 @p2 $0x1  }
0x17: {  	s4 =	simm.s32 $0x1BF5;
	[smem:$0x3FB4] =	sst s0  }
0x18: {  	s0 =	sld [smem:$0x3F97];
	_ =	swait.ge [sflag:s4], $0x0  }
0x19: {  	s7 =	sld [smem:$0x3F98]  }
0x1a: {  	s8 =	sadd.s32 $0xFFFFE003, lr  }
0x1b: {  	s9 =	sadd.s32 $0xFFFFFEF7, lr;
	s5 =	simm.s32 $0xFFFFFFFF;
	p2 =	slt.u32 s8, $0xFFFFF086  }
0x1c: {  	p1 =	slt.u32 s9, $0xF7A;
	s5 =	simm.s32 @!p2 $0x0  }
0x1d: {  	s5 =	simm.s32 @p1 $0x1;
	p0 =	seq.s32 s7, s2  }
0x1e: {  	s7 =	smul.u32 @!p0 $0xF7A, s2;
	p2 =	seq.s32 @!p0 s5, $0x0  }
0x1f: {  	s9 =	smul.u32 $0xF7A, s1;
	s8 =	simm.s32 @!p0 $0x1BF5;
	p2 =	por !p2, p0  }
0x20: {  	[sflag:s8] =	ssyncset.s32 @!p0 $0xFFFFF086;
	s6 =	sadd.s32 @!p0 s3, s7;
	s7 =	simm.s32 @!p0 $0x108  }
0x21: {  	s3 =	sadd.s32 s3, s9;
	s6 =	sadd.s32 @!p0 $0x88, s6;
	s7 =	simm.s32 @p2 $0x1082  }
0x22: {  	[simem:s7], [sflag:s8] =	dma.local @!p0 [hbm:s6], $0xF7A  }
0x23: {  	s9 =	sor.u32 $0xD0000000, s2;
	s6 =	simm.s32 $0x108;
	_ =	swait.ge @!p0 [sflag:s8], $0x0  }
0x24: {  	s3 =	sadd.s32 $0x88, s3;
	s6 =	simm.s32 @!p1 $0x1082;
	[sflag:s4] =	ssyncset.s32 $0xFFFFF086  }
0x25: {  	[simem:s6], [sflag:s4] =	dma.local [hbm:s3], $0xF7A  }
0x26: {  	[smem:$0x3F98] =	sst s1;
	(tag) =	ssettag s2;
	_ =	strace s9  }
0x27: {  	s1 =	sld [smem:$0x3FA8]  }
0x28: {  	s2 =	sld [smem:$0x3FA9]  }
0x29: {  	s4 =	sld [smem:$0x3FAB]  }
0x2a: {  	p0 =	seq.s32 s5, $0x0;
	s5 =	sld [smem:$0x3FAC]  }
0x2b: {  	s6 =	sld [smem:$0x3FAD]  }
0x2c: {  	s7 =	sld [smem:$0x3FAE]  }
0x2d: {  	s3 =	simm.s32 $0x108;
	s8 =	sld [smem:$0x3FAF]  }
0x2e: {  	s3 =	simm.s32 @!p0 $0x1082;
	s9 =	sld [smem:$0x3FB0]  }
0x2f: {  	lr =	sadd.s32 s0, s3;
	s0 =	sld [smem:$0x3FA7]  }
0x30: {  	s3 =	sld [smem:$0x3FAA]  }
0x31: {  	[smem:$0x3FB3] =	sst s10  }
0x32: {  	s10 =	sld [smem:$0x3FB1];
	_ =	sdelay $0x3  }
0x33: {  	p0 =	seq.s32 s10, $0x1;
	s10 =	sld [smem:$0x3FB3];
	_ =	sdelay $0x3  }
0x34: {  	[smem:$0x3FB3] =	sst s10  }
0x35: {  	s10 =	sld [smem:$0x3FB2];
	_ =	sdelay $0x3  }
0x36: {  	p1 =	seq.s32 s10, $0x1;
	s10 =	sld [smem:$0x3FB3];
	_ =	sdelay $0x3  }
0x37: {  	[smem:$0x3FB3] =	sst s10  }
0x38: {  	s10 =	sld [smem:$0x3FB4]  }
0x39: {  	_ = 	snop;
	(pc) =	sbr.ind lr, $3  }
0x3a: {  	_ = 	snop  }
0x3b: {  	_ = 	snop  }
0x3c: {  	p2 =	seq.s32 s10, $0x1;
	s10 =	sld [smem:$0x3FB3]  }
0x3d: {  	_ =	shalt  }
0x3e: {  	_ =	shalt  }
0x3f: {  	_ =	shalt  }
0x40: {  	_ =	shalt  }
0x41: {  	_ =	shalt  }
0x42: {  	_ =	shalt  }
0x43: {  	_ =	shalt  }
0x44: {  	_ =	shalt  }
0x45: {  	_ =	shalt  }
0x46: {  	_ =	shalt  }
0x47: {  	_ =	shalt  }
0x48: {  	_ =	shalt  }
0x49: {  	_ =	shalt  }
0x4a: {  	_ =	shalt  }
0x4b: {  	_ =	shalt  }
0x4c: {  	_ =	shalt  }
0x4d: {  	_ =	shalt  }
0x4e: {  	_ =	shalt  }
0x4f: {  	_ =	shalt  }
0x50: {  	_ =	shalt  }
0x51: {  	_ =	shalt  }
0x52: {  	_ =	shalt  }
0x53: {  	_ =	shalt  }
0x54: {  	_ =	shalt  }
0x55: {  	_ =	shalt  }
0x56: {  	_ =	shalt  }
0x57: {  	_ =	shalt  }
0x58: {  	_ =	shalt  }
0x59: {  	_ =	shalt  }
0x5a: {  	_ =	shalt  }
0x5b: {  	_ =	shalt  }
0x5c: {  	_ =	shalt  }
0x5d: {  	_ =	shalt  }
0x5e: {  	_ =	shalt  }
0x5f: {  	_ =	shalt  }
0x60: {  	_ =	shalt  }
0x61: {  	_ =	shalt  }
0x62: {  	_ =	shalt  }
0x63: {  	_ =	shalt  }
0x64: {  	_ =	shalt  }
0x65: {  	_ =	shalt  }
0x66: {  	_ =	shalt  }
0x67: {  	_ =	shalt  }
0x68: {  	_ =	shalt  }
0x69: {  	_ =	shalt  }
0x6a: {  	_ =	shalt  }
0x6b: {  	_ =	shalt  }
0x6c: {  	_ =	shalt  }
0x6d: {  	_ =	shalt  }
0x6e: {  	_ =	shalt  }
0x6f: {  	_ =	shalt  }
0x70: {  	_ =	shalt  }
0x71: {  	_ =	shalt  }
0x72: {  	_ =	shalt  }
0x73: {  	_ =	shalt  }
0x74: {  	_ =	shalt  }
0x75: {  	_ =	shalt  }
0x76: {  	_ =	shalt  }
0x77: {  	_ =	shalt  }
0x78: {  	_ =	shalt  }
0x79: {  	_ =	shalt  }
0x7a: {  	_ =	shalt  }
0x7b: {  	_ =	shalt  }
0x7c: {  	_ =	shalt  }
0x7d: {  	_ =	shalt  }
0x7e: {  	_ =	shalt  }
0x7f: {  	_ =	shalt  }
0x80: {  	_ =	shalt  }
0x81: {  	_ =	shalt  }
0x82: {  	_ =	shalt  }
0x83: {  	_ =	shalt  }
0x84: {  	_ =	shalt  }
0x85: {  	_ =	shalt  }
0x86: {  	_ =	shalt  }
0x87: {  	_ =	shalt  }
.Lfunc_end0:
.L_simem_size_0:
called_computation.1_lowered:
.L_overlay_start_0:
0x88: {  	s2 =	sld [smem:$0x3FD9]  }
0x89: {  	s3 =	sld [smem:$0x3FFE];
	_ =	sdelay $0x1  }
0x8a: {  	s1 =	srdreg.scid  }
0x8b: {  	s0 =	sand.u32 $0x1, s1  }
0x8c: {  	s16 =	sshll.u32 s0, $0xA;
	s2 =	sadd.s32 s3, s2  }
0x8d: {  	s2 =	sadd.s32 s2, s16  }
0x8e: {  	[smem:$0x3FBF] =	sst s2  }
0x8f: {  	_ = 	snop  }
0x90: {  	(tm) =	ssettm $0x1  }
0x91: {  	s17 =	sld [smem:$0x3FFB];
	_ =	sdelay $0x3  }
0x92: {  	_ =	strace s17  }
0x93: {  	s2 =	sld [smem:$0x3FFC];
	_ =	sdelay $0x3  }
0x94: {  	_ =	strace s2  }
0x95: {  	s2 =	sld [smem:$0x3FFD];
	_ =	sdelay $0x3  }
0x96: {  	_ =	strace s2  }
0x97: {  	_ =	strace $0x8FFFFFFF  }
0x98: {  	s18 =	sld [smem:$0x3FDB];
	_ =	sdelay $0x1  }
0x99: {  	s19 =	simm.s32 $_scs_section_size  }
0x9a: {  	s4 =	simm.s32 $_size__tile_overlayer_lowered;
	s5 =	simm.s32 $_tile_overlayer_lowered  }
0x9b: {  	s22 =	simm.s32 $0x1BFF;
	s21 =	sshll.u32 s5, $0x1;
	s2 =	sadd.s32 s19, s18  }
0x9c: {  	s6 =	simm.s32 $0x0;
	s20 =	sshll.u32 s4, $0x1;
	s4 =	sadd.s32 s21, s2  }
0x9d: {  	[timem:s6], [sflag:s22] =	dma.local [hbm:s4], s20  }
0x9e: {  	_ =	swait.ge [sflag:s22], s20  }
0x9f: {  	s3 =	ssub.s32 $0x0, s20;
	[sflag:s22] =	ssyncset.done $0x0  }
0xa0: {  	[sflag:s22] =	ssyncadd.s32 s3;
	_ =	sdelay $0x1  }
0xa1: {  	s23 =	simm.s32 $0x1B8B  }
0xa2: {  	_ =	swait.ge [sflag:s23], $0x1  }
0xa3: {  	[sflag:s23] =	ssyncset.done $0x0  }
0xa4: {  	s25 =	simm.s32 $0x1B8E;
	s24 =	sld [smem:$0x3FFE];
	[sflag:s23] =	ssyncadd.s32 $0xFFFFFFFF  }
0xa5: {  	s26 =	simm.s32 $execute0_lowered;
	[smem:$0x3FD2] =	sst s25  }
0xa6: {  	s4 =	sshll.u32 s26, $0x1;
	_ =	strace $0x80000049;
	[dreg:$0x1] =	wrdreg $0xFFFFFFFF  }
0xa7: {  	s28 =	simm.s32 $_size_execute0_lowered;
	s2 =	sadd.s32 s2, s4;
	[dreg:$0x0] =	wrdreg $0x0  }
0xa8: {  	s4 =	sshll.u32 s28, $0x1;
	[dreg:$0x2] =	wrdreg s2  }
0xa9: {  	[dreg:$0x3] =	wrdreg s4  }
0xaa: {  	[dreg:$0x4] =	wrdreg $0xC0  }
0xab: {  	_ =	task [dreg:s6], $0x5FFFF  }
0xac: {  	[dreg:$0x1] =	wrdreg $0xFFFFFFFF  }
0xad: {  	[dreg:$0x0] =	wrdreg $0x60  }
0xae: {  	[dreg:$0x2] =	wrdreg s24  }
0xaf: {  	[dreg:$0x3] =	wrdreg $0x80E80  }
0xb0: {  	[dreg:$0x4] =	wrdreg $0x9  }
0xb1: {  	_ =	task.clear_ibuf [dreg:s6], $0x5FFFF;
	_ =	strace $0x90000049  }
0xb2: {  	s29 =	simm.s32 $0x9;
	_ =	strace $0x8000004B  }
0xb3: {  	_ =	swait.ge [sflag:s29], $0x1  }
0xb4: {  	[sflag:s29] =	ssyncadd.s32 $0xFFFFFFFF  }
0xb5: {  	_ =	strace $0x9000004B  }
0xb6: {  	_ =	sfence  }
0xb7: {  	s30 =	sld [smem:$0x0];
	_ =	sdelay $0x2  }
0xb8: {  	s31 =	sshll.u32 s1, $0xD;
	s1 =	sshrl.u32 s1, $0x2  }
0xb9: {  	s3 =	sand.u32 $0x4000, s31;
	s1 =	sadd.s32 s1, s30  }
0xba: {  	s0 =	sor.u32 s3, s0;
	s1 =	sshll.u32 s1, $0x11  }
0xbb: {  	s0 =	sor.u32 s1, s0  }
0xbc: {  	s0 =	sadd.s32 $0x8F2B, s0  }
0xbd: {  	[sflag:s0] =	ssyncadd.remote.s32 $0x1  }
0xbe: {  	_ =	sfence.sel $0xFFFF  }
0xbf: {  	[dreg:$0x0] =	wrdreg $0xFFFFFFFF;
	(pc) =	sbr.abs _section_cstart, $3  }
0xc0: {  	[dreg:$0x1] =	wrdreg $0xFFFFFFFF  }
0xc1: {  	_ =	task.clear_ibuf [dreg:s6], $0x2FFFF;
	_ =	strace $0x9FFFFFFF  }
0xc2: {  	(tm) =	ssettm $0x7FFFFFFF  }
0xc3: {  	_ =	shalt  }
tec
execute0_lowered:
.L_overlay_start_1:
0x0: {  	(tag) =	ssettag $0x1  }
0x1: {  	s19 =	rddreg [dreg:$0x0]  }
0x2: {  	s0 =	stileid.u32;
	s2 =	rddreg [dreg:$0x1]  }
0x3: {  	s1 =	rddreg [dreg:$0x2];
	s3 =	simm.s32 $0x0;
	s5 =	srdreg.scid  }
0x4: {  	s20 =	smul.u32 $0x4E20, s0;
	[smem:$0x7FF] =	sst s3  }
0x5: {  	s21 =	sand.u32 $0x1, s5;
	s28 =	sshll.u32 s0, $0x6;
	s7 =	sshll.u32 s0, $0x1  }
0x6: {  	_ =	strace $0x8000004A;
	s5 =	sor.u32 $0x1C01, s28;
	s4 =	sshrl.u32 s20, $0x3  }
0x7: {  	s9 =	sor.u32 s21, s7;
	s6 =	sadd.s32 s20, s2;
	s4 =	sadd.s32 s4, s19  }
0x8: {  	s7 =	sshrl.u32 s6, $0x3;
	s6 =	simm.s32 $0x1;
	s4 =	sadd.s32 $0xA7800, s4  }
0x9: {  	[spmem:s7], [sflag:s5] =	dma.local [hbm:s4], $0x9C4  }
0xa: {  	s18 =	smul.u32 $0x1388, s9;
	_ =	swait.ge [sflag:s6], $0x9C4  }
0xb: {  	[sflag:s6] =	ssyncset.done $0x0  }
0xc: {  	s17 =	sadd.s32 $0x6400, s19;
	s8 =	sshrl.u32 s18, $0x3;
	[sflag:s6] =	ssyncadd.s32 $0xFFFFF63C  }
0xd: {  	s8 =	sadd.s32 s17, s8;
	[bflag:$0x0] =	sbarrier.arrive $0xFFFF  }
0xe: {  	[tilespmem:s3], [sflag:$0x1] =	stream.linear.gather [hbm4b:s8+s3], $0x3E8, $0x38;
	[tilespmem:$0xCF08] =	vst v63  }
0xf: {  	s9 =	smul.u32 $0x4E20, s9;
	_ =	swait.ge [sflag:s6], $0x3E8  }
0x10: {  	s22 =	sadd.s32 $0xB400, s19;
	[sflag:s6] =	ssyncset.done $0x0  }
0x11: {  	s10 =	simm.s32 $0x3E8;
	s9 =	sadd.s32 s22, s9;
	[sflag:s6] =	ssyncadd.s32 $0xFFFFFC18  }
0x12: {  	[tilespmem:s10], [sflag:$0x1] =	stream.linear.gather [hbm4b:s9+s3], $0x7D00, $0x38;
	[tilespmem:$0xCF08] =	vst v63  }
0x13: {  	_ =	swait.ge [sflag:s6], $0x7D00  }
0x14: {  	[sflag:s6] =	ssyncset.done $0x0  }
0x15: {  	[sflag:s6] =	ssyncadd.s32 $0xFFFF8300  }
0x16: {  	[spmem:s2] =	stream.indirect.scatter.add.f32 [tilespmem:s10], [sflag:$0x1], $0x20, s3, s10, $0xb8;
	[tilespmem:$0xCF08] =	vst v63  }
0x17: {  	s12 =	sadd.s32 $0x3E8, s18;
	_ =	swait.ge [sflag:s6], $0x7D00  }
0x18: {  	s11 =	sshrl.u32 s12, $0x3;
	[sflag:s6] =	ssyncset.done $0x0  }
0x19: {  	s11 =	sadd.s32 s17, s11;
	[sflag:s6] =	ssyncadd.s32 $0xFFFF8300  }
0x1a: {  	[tilespmem:s3], [sflag:$0x1] =	stream.linear.gather [hbm4b:s11+s3], $0x3E8, $0x38;
	[tilespmem:$0xCF08] =	vst v63  }
0x1b: {  	_ =	swait.ge [sflag:s6], $0x3E8  }
0x1c: {  	s12 =	sshll.u32 s12, $0x2;
	[sflag:s6] =	ssyncset.done $0x0  }
0x1d: {  	s12 =	sadd.s32 s22, s12;
	[sflag:s6] =	ssyncadd.s32 $0xFFFFFC18  }
0x1e: {  	[tilespmem:s10], [sflag:$0x1] =	stream.linear.gather [hbm4b:s12+s3], $0x7D00, $0x38;
	[tilespmem:$0xCF08] =	vst v63  }
0x1f: {  	_ =	swait.ge [sflag:s6], $0x7D00  }
0x20: {  	[sflag:s6] =	ssyncset.done $0x0  }
0x21: {  	[sflag:s6] =	ssyncadd.s32 $0xFFFF8300  }
0x22: {  	[spmem:s2] =	stream.indirect.scatter.add.f32 [tilespmem:s10], [sflag:$0x1], $0x20, s3, s10, $0xb8;
	[tilespmem:$0xCF08] =	vst v63  }
0x23: {  	s14 =	sadd.s32 $0x7D0, s18;
	_ =	swait.ge [sflag:s6], $0x7D00  }
0x24: {  	s13 =	sshrl.u32 s14, $0x3;
	[sflag:s6] =	ssyncset.done $0x0  }
0x25: {  	s13 =	sadd.s32 s17, s13;
	[sflag:s6] =	ssyncadd.s32 $0xFFFF8300  }
0x26: {  	[tilespmem:s3], [sflag:$0x1] =	stream.linear.gather [hbm4b:s13+s3], $0x3E8, $0x38;
	[tilespmem:$0xCF08] =	vst v63  }
0x27: {  	_ =	swait.ge [sflag:s6], $0x3E8  }
0x28: {  	s14 =	sshll.u32 s14, $0x2;
	[sflag:s6] =	ssyncset.done $0x0  }
0x29: {  	s14 =	sadd.s32 s22, s14;
	[sflag:s6] =	ssyncadd.s32 $0xFFFFFC18  }
0x2a: {  	[tilespmem:s10], [sflag:$0x1] =	stream.linear.gather [hbm4b:s14+s3], $0x7D00, $0x38;
	[tilespmem:$0xCF08] =	vst v63  }
0x2b: {  	_ =	swait.ge [sflag:s6], $0x7D00  }
0x2c: {  	[sflag:s6] =	ssyncset.done $0x0  }
0x2d: {  	[sflag:s6] =	ssyncadd.s32 $0xFFFF8300  }
0x2e: {  	[spmem:s2] =	stream.indirect.scatter.add.f32 [tilespmem:s10], [sflag:$0x1], $0x20, s3, s10, $0xb8;
	[tilespmem:$0xCF08] =	vst v63  }
0x2f: {  	s16 =	sadd.s32 $0xBB8, s18;
	_ =	swait.ge [sflag:s6], $0x7D00  }
0x30: {  	s15 =	sshrl.u32 s16, $0x3;
	[sflag:s6] =	ssyncset.done $0x0  }
0x31: {  	s15 =	sadd.s32 s17, s15;
	[sflag:s6] =	ssyncadd.s32 $0xFFFF8300  }
0x32: {  	[tilespmem:s3], [sflag:$0x1] =	stream.linear.gather [hbm4b:s15+s3], $0x3E8, $0x38;
	[tilespmem:$0xCF08] =	vst v63  }
0x33: {  	_ =	swait.ge [sflag:s6], $0x3E8  }
0x34: {  	s16 =	sshll.u32 s16, $0x2;
	[sflag:s6] =	ssyncset.done $0x0  }
0x35: {  	s16 =	sadd.s32 s22, s16;
	[sflag:s6] =	ssyncadd.s32 $0xFFFFFC18  }
0x36: {  	[tilespmem:s10], [sflag:$0x1] =	stream.linear.gather [hbm4b:s16+s3], $0x7D00, $0x38;
	[tilespmem:$0xCF08] =	vst v63  }
0x37: {  	_ =	swait.ge [sflag:s6], $0x7D00  }
0x38: {  	[sflag:s6] =	ssyncset.done $0x0  }
0x39: {  	[sflag:s6] =	ssyncadd.s32 $0xFFFF8300  }
0x3a: {  	[spmem:s2] =	stream.indirect.scatter.add.f32 [tilespmem:s10], [sflag:$0x1], $0x20, s3, s10, $0xb8;
	[tilespmem:$0xCF08] =	vst v63  }
0x3b: {  	s18 =	sadd.s32 $0xFA0, s18;
	_ =	swait.ge [sflag:s6], $0x7D00  }
0x3c: {  	s23 =	sshrl.u32 s18, $0x3;
	[sflag:s6] =	ssyncset.done $0x0  }
0x3d: {  	s17 =	sadd.s32 s17, s23;
	[sflag:s6] =	ssyncadd.s32 $0xFFFF8300  }
0x3e: {  	[tilespmem:s3], [sflag:$0x1] =	stream.linear.gather [hbm4b:s17+s3], $0x3E8, $0x38;
	[tilespmem:$0xCF08] =	vst v63  }
0x3f: {  	_ =	swait.ge [sflag:s6], $0x3E8  }
0x40: {  	s18 =	sshll.u32 s18, $0x2;
	[sflag:s6] =	ssyncset.done $0x0  }
0x41: {  	s29 =	smul.u32 $0x4E200, s21;
	s18 =	sadd.s32 s22, s18;
	[sflag:s6] =	ssyncadd.s32 $0xFFFFFC18  }
0x42: {  	[tilespmem:s10], [sflag:$0x1] =	stream.linear.gather [hbm4b:s18+s3], $0x7D00, $0x38;
	[tilespmem:$0xCF08] =	vst v63  }
0x43: {  	s21 =	ssub.s32 $0x2, s21;
	_ =	swait.ge [sflag:s6], $0x7D00  }
0x44: {  	s30 =	sshrl.u32 s21, $0x1;
	s20 =	sadd.s32 s20, s29;
	[sflag:s6] =	ssyncset.done $0x0  }
0x45: {  	s31 =	ssub.s32 s21, s30;
	s20 =	sshrl.u32 s20, $0x3;
	[sflag:s6] =	ssyncadd.s32 $0xFFFF8300  }
0x46: {  	[spmem:s2] =	stream.indirect.scatter.add.f32 [tilespmem:s10], [sflag:$0x1], $0x20, s3, s10, $0xb8;
	[tilespmem:$0xCF08] =	vst v63  }
0x47: {  	s19 =	sadd.s32 s20, s19;
	s20 =	smax.u32 s31, $0x1;
	_ =	swait.ge [sflag:s6], $0x7D00  }
0x48: {  	p0 =	sne.s32 s20, $0x1;
	[sflag:s6] =	ssyncset.done $0x0  }
.Ltmp0:
0x49: {  	[sflag:s6] =	ssyncadd.s32 $0xFFFF8300;
	(pc) =	sbr.rel @!p0 .LBB2_2-.Ltmp0, $4  }
0x4a: {  	s19 =	sadd.s32 $0xB1600, s19;
	[bflag:$0x0] =	sbarrier.arrive $0xFFFF  }
0x4b: {  	[hbm:s19], [sflag:s5] =	dma.local [spmem:s7], $0x9C4  }
0x4c: {  	_ =	swait.ge [sflag:s6], $0x9C4  }
0x4d: {  	s20 =	sadd.s32 $0xFFFFFFFF, s20;
	[sflag:s6] =	ssyncset.done $0x0  }
.LBB2_1:
0x4e: {  	p0 =	sne.s32 s20, $0x1;
	s20 =	sadd.s32 $0xFFFFFFFF, s20;
	[sflag:s6] =	ssyncadd.s32 $0xFFFFF63C  }
0x4f: {  	[spmem:s7], [sflag:s5] =	dma.local [hbm:s4], $0x9C4  }
0x50: {  	_ =	swait.ge [sflag:s6], $0x9C4  }
0x51: {  	[sflag:s6] =	ssyncset.done $0x0  }
0x52: {  	[sflag:s6] =	ssyncadd.s32 $0xFFFFF63C  }
0x53: {  	[bflag:$0x0] =	sbarrier.arrive $0xFFFF  }
0x54: {  	[tilespmem:s3], [sflag:$0x1] =	stream.linear.gather [hbm4b:s8+s3], $0x3E8, $0x38;
	[tilespmem:$0xCF08] =	vst v63  }
0x55: {  	_ =	swait.ge [sflag:s6], $0x3E8  }
0x56: {  	[sflag:s6] =	ssyncset.done $0x0  }
0x57: {  	[sflag:s6] =	ssyncadd.s32 $0xFFFFFC18  }
0x58: {  	[tilespmem:s10], [sflag:$0x1] =	stream.linear.gather [hbm4b:s9+s3], $0x7D00, $0x38;
	[tilespmem:$0xCF08] =	vst v63  }
0x59: {  	_ =	swait.ge [sflag:s6], $0x7D00  }
0x5a: {  	[sflag:s6] =	ssyncset.done $0x0  }
0x5b: {  	[sflag:s6] =	ssyncadd.s32 $0xFFFF8300  }
0x5c: {  	[spmem:s2] =	stream.indirect.scatter.add.f32 [tilespmem:s10], [sflag:$0x1], $0x20, s3, s10, $0xb8;
	[tilespmem:$0xCF08] =	vst v63  }
0x5d: {  	_ =	swait.ge [sflag:s6], $0x7D00  }
0x5e: {  	[sflag:s6] =	ssyncset.done $0x0  }
0x5f: {  	[sflag:s6] =	ssyncadd.s32 $0xFFFF8300  }
0x60: {  	[tilespmem:s3], [sflag:$0x1] =	stream.linear.gather [hbm4b:s11+s3], $0x3E8, $0x38;
	[tilespmem:$0xCF08] =	vst v63  }
0x61: {  	_ =	swait.ge [sflag:s6], $0x3E8  }
0x62: {  	[sflag:s6] =	ssyncset.done $0x0  }
0x63: {  	[sflag:s6] =	ssyncadd.s32 $0xFFFFFC18  }
0x64: {  	[tilespmem:s10], [sflag:$0x1] =	stream.linear.gather [hbm4b:s12+s3], $0x7D00, $0x38;
	[tilespmem:$0xCF08] =	vst v63  }
0x65: {  	_ =	swait.ge [sflag:s6], $0x7D00  }
0x66: {  	[sflag:s6] =	ssyncset.done $0x0  }
0x67: {  	[sflag:s6] =	ssyncadd.s32 $0xFFFF8300  }
0x68: {  	[spmem:s2] =	stream.indirect.scatter.add.f32 [tilespmem:s10], [sflag:$0x1], $0x20, s3, s10, $0xb8;
	[tilespmem:$0xCF08] =	vst v63  }
0x69: {  	_ =	swait.ge [sflag:s6], $0x7D00  }
0x6a: {  	[sflag:s6] =	ssyncset.done $0x0  }
0x6b: {  	[sflag:s6] =	ssyncadd.s32 $0xFFFF8300  }
0x6c: {  	[tilespmem:s3], [sflag:$0x1] =	stream.linear.gather [hbm4b:s13+s3], $0x3E8, $0x38;
	[tilespmem:$0xCF08] =	vst v63  }
0x6d: {  	_ =	swait.ge [sflag:s6], $0x3E8  }
0x6e: {  	[sflag:s6] =	ssyncset.done $0x0  }
0x6f: {  	[sflag:s6] =	ssyncadd.s32 $0xFFFFFC18  }
0x70: {  	[tilespmem:s10], [sflag:$0x1] =	stream.linear.gather [hbm4b:s14+s3], $0x7D00, $0x38;
	[tilespmem:$0xCF08] =	vst v63  }
0x71: {  	_ =	swait.ge [sflag:s6], $0x7D00  }
0x72: {  	[sflag:s6] =	ssyncset.done $0x0  }
0x73: {  	[sflag:s6] =	ssyncadd.s32 $0xFFFF8300  }
0x74: {  	[spmem:s2] =	stream.indirect.scatter.add.f32 [tilespmem:s10], [sflag:$0x1], $0x20, s3, s10, $0xb8;
	[tilespmem:$0xCF08] =	vst v63  }
0x75: {  	_ =	swait.ge [sflag:s6], $0x7D00  }
0x76: {  	[sflag:s6] =	ssyncset.done $0x0  }
0x77: {  	[sflag:s6] =	ssyncadd.s32 $0xFFFF8300  }
0x78: {  	[tilespmem:s3], [sflag:$0x1] =	stream.linear.gather [hbm4b:s15+s3], $0x3E8, $0x38;
	[tilespmem:$0xCF08] =	vst v63  }
0x79: {  	_ =	swait.ge [sflag:s6], $0x3E8  }
0x7a: {  	[sflag:s6] =	ssyncset.done $0x0  }
0x7b: {  	[sflag:s6] =	ssyncadd.s32 $0xFFFFFC18  }
0x7c: {  	[tilespmem:s10], [sflag:$0x1] =	stream.linear.gather [hbm4b:s16+s3], $0x7D00, $0x38;
	[tilespmem:$0xCF08] =	vst v63  }
0x7d: {  	_ =	swait.ge [sflag:s6], $0x7D00  }
0x7e: {  	[sflag:s6] =	ssyncset.done $0x0  }
0x7f: {  	[sflag:s6] =	ssyncadd.s32 $0xFFFF8300  }
0x80: {  	[spmem:s2] =	stream.indirect.scatter.add.f32 [tilespmem:s10], [sflag:$0x1], $0x20, s3, s10, $0xb8;
	[tilespmem:$0xCF08] =	vst v63  }
0x81: {  	_ =	swait.ge [sflag:s6], $0x7D00  }
0x82: {  	[sflag:s6] =	ssyncset.done $0x0  }
0x83: {  	[sflag:s6] =	ssyncadd.s32 $0xFFFF8300  }
0x84: {  	[tilespmem:s3], [sflag:$0x1] =	stream.linear.gather [hbm4b:s17+s3], $0x3E8, $0x38;
	[tilespmem:$0xCF08] =	vst v63  }
0x85: {  	_ =	swait.ge [sflag:s6], $0x3E8  }
0x86: {  	[sflag:s6] =	ssyncset.done $0x0  }
0x87: {  	[sflag:s6] =	ssyncadd.s32 $0xFFFFFC18  }
0x88: {  	[tilespmem:s10], [sflag:$0x1] =	stream.linear.gather [hbm4b:s18+s3], $0x7D00, $0x38;
	[tilespmem:$0xCF08] =	vst v63  }
0x89: {  	_ =	swait.ge [sflag:s6], $0x7D00  }
0x8a: {  	[sflag:s6] =	ssyncset.done $0x0  }
0x8b: {  	[sflag:s6] =	ssyncadd.s32 $0xFFFF8300  }
0x8c: {  	[spmem:s2] =	stream.indirect.scatter.add.f32 [tilespmem:s10], [sflag:$0x1], $0x20, s3, s10, $0xb8;
	[tilespmem:$0xCF08] =	vst v63  }
0x8d: {  	_ =	swait.ge [sflag:s6], $0x7D00  }
0x8e: {  	[sflag:s6] =	ssyncset.done $0x0  }
.Ltmp1:
0x8f: {  	[sflag:s6] =	ssyncadd.s32 $0xFFFF8300;
	(pc) =	sbr.rel @p0 .LBB2_1-.Ltmp1, $4  }
0x90: {  	[bflag:$0x0] =	sbarrier.arrive $0xFFFF  }
0x91: {  	[hbm:s19], [sflag:s5] =	dma.local [spmem:s7], $0x9C4  }
0x92: {  	_ =	swait.ge [sflag:s6], $0x9C4  }
0x93: {  	[sflag:s6] =	ssyncset.done $0x0  }
.LBB2_2:
0x94: {  	[sflag:s6] =	ssyncadd.s32 $0xFFFFF63C  }
0x95: {  	_ =	sfence.sel $0x180000  }
0x96: {  	[bflag:$0x0] =	sbarrier.arrive $0xFFFF  }
0x97: {  	p0 =	sne.s32 s0, $0x0;
	_ =	strace $0x9000004A  }
0x98: {  	s0 =	sadd.s32 @!p0 $0x100000, s1;
	[bflag:$0x2] =	sbarrier.arrive $0xFFFF  }
0x99: {  	[sflag:s0] =	ssyncadd.tile.s32 @!p0 $0x1;
	_ =	shalt  }
.Lfunc_end2:
_tile_overlayer_lowered:
.L_overlay_start_2:
0x9a: {  	(tag) =	ssettag $0x2  }
0x9b: {  	s0 =	rddreg [dreg:$0x0];
	s2 =	stileid.u32  }
0x9c: {  	s1 =	rddreg [dreg:$0x1];
	p0 =	sne.s32 s2, $0x0  }
0x9d: {  	s3 =	rddreg [dreg:$0x2];
	[bflag:$0x3] =	sbarrier.arrive $0xFFFF;
	s2 =	simm.s32 @!p0 $0x1C01  }
0x9e: {  	[timem:s3], [sflag:s2] =	dma.local @!p0 [hbm:s0], s1  }
0x9f: {  	s0 =	simm.s32 @!p0 $0x1  }
0xa0: {  	_ =	swait.ge @!p0 [sflag:s0], s1  }
0xa1: {  	s1 =	ssub.s32 @!p0 $0x0, s1;
	[sflag:s0] =	ssyncset.done @!p0 $0x0  }
0xa2: {  	[sflag:s0] =	ssyncadd.s32 @!p0 s1  }
0xa3: {  	[bflag:$0x3] =	sbarrier.arrive $0xFFFF  }
0xa4: {  	_ =	shalt  }

</sc_bundles>
